<compile_context>
chip_gen: v7x
topology: tpu7x:2x2x1
jax: 0.10.2.dev20260603
libtpu: 0.0.44.dev20260713+nightly
codegen_flags: <defaults>
</compile_context>

<pallas_src>
import functools

import jax
import jax.numpy as jnp
from jax import lax
from jax.experimental import pallas as pl
from jax.experimental.pallas import tpu as pltpu
from jax.experimental.pallas import tpu_sc as plsc

N_NODES = 10000
D = 128
E = 320000

NC, NS = 2, 16
NW = NC * NS
K = 128
CPW = 80
E_PAD = NW * CPW * K
N_PAD = 10112
RPT = N_PAD // NS
EPW = E_PAD // NW

_mesh = plsc.VectorSubcoreMesh(core_axis_name="c", subcore_axis_name="s")


@functools.partial(
    pl.kernel,
    out_type=jax.ShapeDtypeStruct((NW, N_PAD), jnp.float32),
    mesh=_mesh,
    scratch_types=[
        pltpu.VMEM((EPW,), jnp.int32),
        pltpu.VMEM((N_PAD,), jnp.float32),
    ],
    compiler_params=pltpu.CompilerParams(needs_layout_passes=False),
)
def _deg_sc(dst_hbm, zeros_hbm, deg_out, ebuf, hist):
    c = lax.axis_index("c")
    s = lax.axis_index("s")
    wid = s * NC + c
    pltpu.sync_copy(zeros_hbm, hist)
    pltpu.sync_copy(dst_hbm.at[pl.ds(wid * EPW, EPW)], ebuf)
    ones = jnp.full((16,), 1.0, jnp.float32)

    def body(i, carry):
        plsc.addupdate_scatter(hist, [ebuf[pl.ds(i * 16, 16)]], ones)
        return carry

    lax.fori_loop(0, EPW // 16, body, 0)
    pltpu.sync_copy(hist, deg_out.at[wid])


@functools.partial(
    pl.kernel,
    out_type=jax.ShapeDtypeStruct((NC, N_PAD, D), jnp.float32),
    mesh=_mesh,
    scratch_types=[
        pltpu.VMEM((K,), jnp.int32),
        pltpu.VMEM((K,), jnp.int32),
        pltpu.VMEM((K, D), jnp.float32),
        pltpu.VMEM_SHARED((N_PAD, D), jnp.float32),
        pltpu.SemaphoreType.DMA,
    ],
)
def _scatter_sc(y_hbm, src_hbm, dst_hbm, zeros_hbm, acc_out,
                sidx, didx, rows, acc_sh, sem):
    c = lax.axis_index("c")
    s = lax.axis_index("s")
    wid = s * NC + c
    r0 = s * RPT
    pltpu.sync_copy(zeros_hbm.at[pl.ds(r0, RPT)], acc_sh.at[pl.ds(r0, RPT)])
    plsc.subcore_barrier()

    def body(i, carry):
        base = (wid * CPW + i) * K
        pltpu.sync_copy(src_hbm.at[pl.ds(base, K)], sidx)
        pltpu.sync_copy(dst_hbm.at[pl.ds(base, K)], didx)
        pltpu.async_copy(y_hbm.at[sidx], rows, sem).wait()
        pltpu.sync_copy(rows, acc_sh.at[didx], add=True)
        return carry

    lax.fori_loop(0, CPW, body, 0)
    plsc.subcore_barrier()
    pltpu.sync_copy(acc_sh.at[pl.ds(r0, RPT)], acc_out.at[c, pl.ds(r0, RPT)])


def _dis(degt):
    return lax.rsqrt(jnp.sum(degt[...], axis=1, keepdims=True) + 1.0)


def _dense1_body(degt, x_ref, w_ref, y_ref):
    xw = jnp.dot(x_ref[...], w_ref[...], preferred_element_type=jnp.float32)
    y_ref[...] = _dis(degt) * xw


def _dense2_body(degt, a0, a1, y1, w_ref, b_ref, y2_ref):
    dis = _dis(degt)
    h = jnp.maximum(dis * (a0[...] + a1[...] + y1[...]) + b_ref[...], 0.0)
    y2_ref[...] = dis * jnp.dot(h, w_ref[...], preferred_element_type=jnp.float32)


def _dense3_body(degt, a0, a1, y2, b_ref, o_ref):
    o_ref[...] = _dis(degt) * (a0[...] + a1[...] + y2[...]) + b_ref[...]


_dense1 = pl.pallas_call(
    _dense1_body, out_shape=jax.ShapeDtypeStruct((N_PAD, D), jnp.float32))
_dense2 = pl.pallas_call(
    _dense2_body, out_shape=jax.ShapeDtypeStruct((N_PAD, D), jnp.float32))
_dense3 = pl.pallas_call(
    _dense3_body, out_shape=jax.ShapeDtypeStruct((N_PAD, D), jnp.float32))


def kernel(x, edge_index, W1, b1, W2, b2):
    ei = edge_index.astype(jnp.int32)
    pad = E_PAD - E
    src = jnp.concatenate([ei[0], jnp.zeros((pad,), jnp.int32)])
    dst = jnp.concatenate([ei[1], jnp.full((pad,), N_NODES, jnp.int32)])
    x_pad = jnp.zeros((N_PAD, D), jnp.float32).at[:N_NODES].set(x)
    zeros_nd = jnp.zeros((N_PAD, D), jnp.float32)
    zeros_n = jnp.zeros((N_PAD,), jnp.float32)

    degt = _deg_sc(dst, zeros_n).T

    y1 = _dense1(degt, x_pad, W1)
    acc1 = _scatter_sc(y1, src, dst, zeros_nd)
    y2 = _dense2(degt, acc1[0], acc1[1], y1, W2, b1.reshape(1, D))
    acc2 = _scatter_sc(y2, src, dst, zeros_nd)
    out = _dense3(degt, acc2[0], acc2[1], y2, b2.reshape(1, D))
    return out[:N_NODES]

# --- scband reference (transcript-rebuilt; emitter-appended) ---
"""Pipeline reference for scband-gcn-6846177870285 (READ-ONLY COPY).

The authoritative reference and input builder live on the scoring server;
editing this copy changes nothing except your own understanding.
"""

import jax, jax.numpy as jnp
import numpy as np

N_NODES = 10000
D_FEAT = 128
D_HIDDEN = 128
N_EDGES = 320000


def _gcn_conv(x, edge_index, W, b, num_nodes):
    # GCNConv: add self-loops, symmetric normalization, propagate, then bias.
    src = edge_index[0]
    dst = edge_index[1]
    loop = jnp.arange(num_nodes, dtype=edge_index.dtype)
    src = jnp.concatenate([src, loop])
    dst = jnp.concatenate([dst, loop])
    # degree computed on destination with unit edge weights (incl. self-loops)
    deg = jnp.zeros((num_nodes,), dtype=x.dtype).at[dst].add(1.0)
    deg_inv_sqrt = jnp.where(deg > 0, jax.lax.rsqrt(jnp.where(deg > 0, deg, 1.0)), 0.0)
    norm = deg_inv_sqrt[src] * deg_inv_sqrt[dst]
    xw = x @ W
    msg = xw[src] * norm[:, None]
    out = jax.ops.segment_sum(msg, dst, num_segments=num_nodes)
    return out + b


def setup_inputs(seed: int = 0) -> dict:
    key = jax.random.key(seed)
    k1, k2, k3, k4, k5, k6 = jax.random.split(key, 6)
    x = jax.random.normal(k1, (N_NODES, D_FEAT), dtype=jnp.float32)
    edge_index = jax.random.randint(k2, (2, N_EDGES), 0, N_NODES, dtype=jnp.int64)
    # Glorot-style init for GCN layer weights
    s1 = (6.0 / (D_FEAT + D_HIDDEN)) ** 0.5
    W1 = jax.random.uniform(k3, (D_FEAT, D_HIDDEN), dtype=jnp.float32, minval=-s1, maxval=s1)
    b1 = jnp.zeros((D_HIDDEN,), dtype=jnp.float32)
    s2 = (6.0 / (D_HIDDEN + D_HIDDEN)) ** 0.5
    W2 = jax.random.uniform(k4, (D_HIDDEN, D_HIDDEN), dtype=jnp.float32, minval=-s2, maxval=s2)
    b2 = jnp.zeros((D_HIDDEN,), dtype=jnp.float32)
    return {"x": x, "edge_index": edge_index, "W1": W1, "b1": b1, "W2": W2, "b2": b2}


def reference(x, edge_index, W1, b1, W2, b2):
    h = _gcn_conv(x, edge_index, W1, b1, N_NODES)
    h = jax.nn.relu(h)
    # F.dropout(training=self.training) is identity in eval mode
    out = _gcn_conv(h, edge_index, W2, b2, N_NODES)
    return out

if __name__ == "__main__":
    import jax
    _d = setup_inputs()
    print(jax.jit(kernel)(*tuple(_d.values())))

</pallas_src>

<mosaic_0001>
#map = affine_map<(d0, d1) -> (0)>
#map1 = affine_map<(d0, d1) -> (0, 0)>
module attributes {stable_mosaic.version = 14 : i64} {
  func.func @_deg_sc(%arg0: i32, %arg1: i32, %arg2: memref<327680xi32, #tpu.memory_space<hbm>>, %arg3: memref<10112xf32, #tpu.memory_space<hbm>>, %arg4: memref<32x10112xf32, #tpu.memory_space<hbm>>, %arg5: memref<10240xi32, #tpu.memory_space<vmem>>, %arg6: memref<10112xf32, #tpu.memory_space<vmem>>) attributes {dimension_semantics = [#tpu.dimension_semantics<core_parallel>, #tpu.dimension_semantics<subcore_parallel>], iteration_bounds = array<i64: 2, 16>, scalar_prefetch = 0 : i64, scratch_operands = 2 : i64, tpu.core_type = #tpu.core_type<sc_vector_subcore>, window_params = [{transform_indices = #map}, {transform_indices = #map}, {transform_indices = #map1}]} {
    %mul3A = arith.constant 2 : i32
    %mul3A_0 = arith.muli %arg1, %mul3A : i32
    %add3A = arith.addi %mul3A_0, %arg0 : i32
    "tpu.region"() ({
      %run_scoped3A = tpu.sem_alloc : memref<!tpu.dma_semaphore, #tpu.memory_space<semaphore_mem>>
      tpu.enqueue_dma source(%arg3 : memref<10112xf32, #tpu.memory_space<hbm>>) target(%arg6 : memref<10112xf32, #tpu.memory_space<vmem>>) target_semaphore(%run_scoped3A : memref<!tpu.dma_semaphore, #tpu.memory_space<semaphore_mem>>)
      tpu.wait_dma2 semaphore(%run_scoped3A : memref<!tpu.dma_semaphore, #tpu.memory_space<semaphore_mem>>) src(%arg3 : memref<10112xf32, #tpu.memory_space<hbm>>) dst(%arg6 : memref<10112xf32, #tpu.memory_space<vmem>>)
      tpu.yield
    }) : () -> ()
    %mul3A_1 = arith.constant 10240 : i32
    %mul3A_2 = arith.muli %add3A, %mul3A_1 : i32
    "tpu.region"() ({
      %run_scoped3A = tpu.sem_alloc : memref<!tpu.dma_semaphore, #tpu.memory_space<semaphore_mem>>
      %dma_start3A = tpu.memref_slice %arg2[%mul3A_2] : memref<327680xi32, #tpu.memory_space<hbm>> -> memref<10240xi32, #tpu.memory_space<hbm>>
      %dma_start3A_9 = tpu.memref_slice %arg2[%mul3A_2] : memref<327680xi32, #tpu.memory_space<hbm>> -> memref<10240xi32, #tpu.memory_space<hbm>>
      tpu.enqueue_dma source(%dma_start3A_9 : memref<10240xi32, #tpu.memory_space<hbm>>) target(%arg5 : memref<10240xi32, #tpu.memory_space<vmem>>) target_semaphore(%run_scoped3A : memref<!tpu.dma_semaphore, #tpu.memory_space<semaphore_mem>>)
      %dma_wait3A = tpu.memref_slice %arg2[%mul3A_2] : memref<327680xi32, #tpu.memory_space<hbm>> -> memref<10240xi32, #tpu.memory_space<hbm>>
      %dma_wait3A_10 = tpu.memref_slice %arg2[%mul3A_2] : memref<327680xi32, #tpu.memory_space<hbm>> -> memref<10240xi32, #tpu.memory_space<hbm>>
      tpu.wait_dma2 semaphore(%run_scoped3A : memref<!tpu.dma_semaphore, #tpu.memory_space<semaphore_mem>>) src(%dma_wait3A_10 : memref<10240xi32, #tpu.memory_space<hbm>>) dst(%arg5 : memref<10240xi32, #tpu.memory_space<vmem>>)
      tpu.yield
    }) : () -> ()
    %broadcast_in_dim3A = arith.constant 1.000000e+00 : f32
    %broadcast_in_dim3A_3 = vector.broadcast %broadcast_in_dim3A : f32 to vector<16xf32>
    %scan3A = arith.constant 0 : i32
    %scan3A_4 = arith.constant 0 : i32
    %scan3A_5 = arith.constant 640 : i32
    %scan3A_6 = arith.addi %scan3A_4, %scan3A_5 : i32
    %scan3A_7 = arith.constant 1 : i32
    scf.for %scan3A_9 = %scan3A_4 to %scan3A_6 step %scan3A_7  : i32 {
      %mul3A_10 = arith.constant 16 : i32
      %mul3A_11 = arith.muli %scan3A_9, %mul3A_10 : i32
      %get3A = arith.index_cast %mul3A_11 : i32 to index
      %get3A_12 = tpu.vector_load %arg5[%get3A] {strides = array<i32>} : memref<10240xi32, #tpu.memory_space<vmem>>, vector<16xi32>,
      tpu.vector_store_idx %arg6[%get3A_12], %broadcast_in_dim3A_3 {add = true} : memref<10112xf32, #tpu.memory_space<vmem>>[vector<16xi32>], vector<16xf32>,
    }
    %scan3A_8 = arith.constant 640 : i32
    "tpu.region"() ({
      %run_scoped3A = tpu.sem_alloc : memref<!tpu.dma_semaphore, #tpu.memory_space<semaphore_mem>>
      %dma_start3A = arith.constant 0 : i32
      %dma_start3A_9 = tpu.memref_slice %arg4[%add3A, %dma_start3A] : memref<32x10112xf32, #tpu.memory_space<hbm>> -> memref<1x10112xf32, #tpu.memory_space<hbm>>
      %dma_start3A_10 = tpu.memref_squeeze %dma_start3A_9 : memref<1x10112xf32, #tpu.memory_space<hbm>> -> memref<10112xf32, #tpu.memory_space<hbm>>
      %dma_start3A_11 = arith.constant 0 : i32
      %dma_start3A_12 = tpu.memref_slice %arg4[%add3A, %dma_start3A_11] : memref<32x10112xf32, #tpu.memory_space<hbm>> -> memref<1x10112xf32, #tpu.memory_space<hbm>>
      %dma_start3A_13 = tpu.memref_squeeze %dma_start3A_12 : memref<1x10112xf32, #tpu.memory_space<hbm>> -> memref<10112xf32, #tpu.memory_space<hbm>>
      tpu.enqueue_dma source(%arg6 : memref<10112xf32, #tpu.memory_space<vmem>>) target(%dma_start3A_13 : memref<10112xf32, #tpu.memory_space<hbm>>) target_semaphore(%run_scoped3A : memref<!tpu.dma_semaphore, #tpu.memory_space<semaphore_mem>>)
      %dma_wait3A = arith.constant 0 : i32
      %dma_wait3A_14 = tpu.memref_slice %arg4[%add3A, %dma_wait3A] : memref<32x10112xf32, #tpu.memory_space<hbm>> -> memref<1x10112xf32, #tpu.memory_space<hbm>>
      %dma_wait3A_15 = tpu.memref_squeeze %dma_wait3A_14 : memref<1x10112xf32, #tpu.memory_space<hbm>> -> memref<10112xf32, #tpu.memory_space<hbm>>
      %dma_wait3A_16 = arith.constant 0 : i32
      %dma_wait3A_17 = tpu.memref_slice %arg4[%add3A, %dma_wait3A_16] : memref<32x10112xf32, #tpu.memory_space<hbm>> -> memref<1x10112xf32, #tpu.memory_space<hbm>>
      %dma_wait3A_18 = tpu.memref_squeeze %dma_wait3A_17 : memref<1x10112xf32, #tpu.memory_space<hbm>> -> memref<10112xf32, #tpu.memory_space<hbm>>
      tpu.wait_dma2 semaphore(%run_scoped3A : memref<!tpu.dma_semaphore, #tpu.memory_space<semaphore_mem>>) src(%arg6 : memref<10112xf32, #tpu.memory_space<vmem>>) dst(%dma_wait3A_18 : memref<10112xf32, #tpu.memory_space<hbm>>)
      tpu.yield
    }) : () -> ()
    return
  }
}

#map = affine_map<(d0, d1) -> (0, 0)>
#map1 = affine_map<(d0, d1) -> (0)>
#map2 = affine_map<(d0, d1) -> (0, 0, 0)>
module attributes {stable_mosaic.version = 14 : i64} {
  func.func @_scatter_sc(%arg0: i32, %arg1: i32, %arg2: memref<10112x128xf32, #tpu.memory_space<hbm>>, %arg3: memref<327680xi32, #tpu.memory_space<hbm>>, %arg4: memref<327680xi32, #tpu.memory_space<hbm>>, %arg5: memref<10112x128xf32, #tpu.memory_space<hbm>>, %arg6: memref<2x10112x128xf32, #tpu.memory_space<hbm>>, %arg7: memref<128xi32, #tpu.memory_space<vmem>>, %arg8: memref<128xi32, #tpu.memory_space<vmem>>, %arg9: memref<128x128xf32, #tpu.memory_space<vmem>>, %arg10: memref<10112x128xf32, #tpu.memory_space<vmem_shared>>, %arg11: memref<!tpu.dma_semaphore, #tpu.memory_space<semaphore_mem>>) attributes {dimension_semantics = [#tpu.dimension_semantics<core_parallel>, #tpu.dimension_semantics<subcore_parallel>], iteration_bounds = array<i64: 2, 16>, scalar_prefetch = 0 : i64, scratch_operands = 5 : i64, tpu.core_type = #tpu.core_type<sc_vector_subcore>, window_params = [{transform_indices = #map}, {transform_indices = #map1}, {transform_indices = #map1}, {transform_indices = #map}, {transform_indices = #map2}]} {
    %mul3A = arith.constant 2 : i32
    %mul3A_0 = arith.muli %arg1, %mul3A : i32
    %add3A = arith.addi %mul3A_0, %arg0 : i32
    %mul3A_1 = arith.constant 632 : i32
    %mul3A_2 = arith.muli %arg1, %mul3A_1 : i32
    "tpu.region"() ({
      %run_scoped3A = tpu.sem_alloc : memref<!tpu.dma_semaphore, #tpu.memory_space<semaphore_mem>>
      %dma_start3A = arith.constant 0 : i32
      %dma_start3A_9 = tpu.memref_slice %arg10[%mul3A_2, %dma_start3A] : memref<10112x128xf32, #tpu.memory_space<vmem_shared>> -> memref<632x128xf32, #tpu.memory_space<vmem_shared>>
      %dma_start3A_10 = arith.constant 0 : i32
      %dma_start3A_11 = tpu.memref_slice %arg5[%mul3A_2, %dma_start3A_10] : memref<10112x128xf32, #tpu.memory_space<hbm>> -> memref<632x128xf32, #tpu.memory_space<hbm>>
      tpu.enqueue_dma source(%dma_start3A_11 : memref<632x128xf32, #tpu.memory_space<hbm>>) target(%dma_start3A_9 : memref<632x128xf32, #tpu.memory_space<vmem_shared>>) target_semaphore(%run_scoped3A : memref<!tpu.dma_semaphore, #tpu.memory_space<semaphore_mem>>)
      %dma_wait3A = arith.constant 0 : i32
      %dma_wait3A_12 = tpu.memref_slice %arg10[%mul3A_2, %dma_wait3A] : memref<10112x128xf32, #tpu.memory_space<vmem_shared>> -> memref<632x128xf32, #tpu.memory_space<vmem_shared>>
      %dma_wait3A_13 = arith.constant 0 : i32
      %dma_wait3A_14 = tpu.memref_slice %arg5[%mul3A_2, %dma_wait3A_13] : memref<10112x128xf32, #tpu.memory_space<hbm>> -> memref<632x128xf32, #tpu.memory_space<hbm>>
      tpu.wait_dma2 semaphore(%run_scoped3A : memref<!tpu.dma_semaphore, #tpu.memory_space<semaphore_mem>>) src(%dma_wait3A_14 : memref<632x128xf32, #tpu.memory_space<hbm>>) dst(%dma_wait3A_12 : memref<632x128xf32, #tpu.memory_space<vmem_shared>>)
      tpu.yield
    }) : () -> ()
    %barrier3A = arith.constant 0 : index
    tpu.barrier barrier_id(%barrier3A)
    %scan3A = arith.constant 0 : i32
    %scan3A_3 = arith.constant 0 : i32
    %scan3A_4 = arith.constant 80 : i32
    %scan3A_5 = arith.addi %scan3A_3, %scan3A_4 : i32
    %scan3A_6 = arith.constant 1 : i32
    scf.for %scan3A_9 = %scan3A_3 to %scan3A_5 step %scan3A_6  : i32 {
      %mul3A_10 = arith.constant 80 : i32
      %mul3A_11 = arith.muli %add3A, %mul3A_10 : i32
      %add3A_12 = arith.addi %mul3A_11, %scan3A_9 : i32
      %mul3A_13 = arith.constant 128 : i32
      %mul3A_14 = arith.muli %add3A_12, %mul3A_13 : i32
      "tpu.region"() ({
        %run_scoped3A = tpu.sem_alloc : memref<!tpu.dma_semaphore, #tpu.memory_space<semaphore_mem>>
        %dma_start3A_19 = tpu.memref_slice %arg3[%mul3A_14] : memref<327680xi32, #tpu.memory_space<hbm>> -> memref<128xi32, #tpu.memory_space<hbm>>
        %dma_start3A_20 = tpu.memref_slice %arg3[%mul3A_14] : memref<327680xi32, #tpu.memory_space<hbm>> -> memref<128xi32, #tpu.memory_space<hbm>>
        tpu.enqueue_dma source(%dma_start3A_20 : memref<128xi32, #tpu.memory_space<hbm>>) target(%arg7 : memref<128xi32, #tpu.memory_space<vmem>>) target_semaphore(%run_scoped3A : memref<!tpu.dma_semaphore, #tpu.memory_space<semaphore_mem>>)
        %dma_wait3A_21 = tpu.memref_slice %arg3[%mul3A_14] : memref<327680xi32, #tpu.memory_space<hbm>> -> memref<128xi32, #tpu.memory_space<hbm>>
        %dma_wait3A_22 = tpu.memref_slice %arg3[%mul3A_14] : memref<327680xi32, #tpu.memory_space<hbm>> -> memref<128xi32, #tpu.memory_space<hbm>>
        tpu.wait_dma2 semaphore(%run_scoped3A : memref<!tpu.dma_semaphore, #tpu.memory_space<semaphore_mem>>) src(%dma_wait3A_22 : memref<128xi32, #tpu.memory_space<hbm>>) dst(%arg7 : memref<128xi32, #tpu.memory_space<vmem>>)
        tpu.yield
      }) : () -> ()
      "tpu.region"() ({
        %run_scoped3A = tpu.sem_alloc : memref<!tpu.dma_semaphore, #tpu.memory_space<semaphore_mem>>
        %dma_start3A_19 = tpu.memref_slice %arg4[%mul3A_14] : memref<327680xi32, #tpu.memory_space<hbm>> -> memref<128xi32, #tpu.memory_space<hbm>>
        %dma_start3A_20 = tpu.memref_slice %arg4[%mul3A_14] : memref<327680xi32, #tpu.memory_space<hbm>> -> memref<128xi32, #tpu.memory_space<hbm>>
        tpu.enqueue_dma source(%dma_start3A_20 : memref<128xi32, #tpu.memory_space<hbm>>) target(%arg8 : memref<128xi32, #tpu.memory_space<vmem>>) target_semaphore(%run_scoped3A : memref<!tpu.dma_semaphore, #tpu.memory_space<semaphore_mem>>)
        %dma_wait3A_21 = tpu.memref_slice %arg4[%mul3A_14] : memref<327680xi32, #tpu.memory_space<hbm>> -> memref<128xi32, #tpu.memory_space<hbm>>
        %dma_wait3A_22 = tpu.memref_slice %arg4[%mul3A_14] : memref<327680xi32, #tpu.memory_space<hbm>> -> memref<128xi32, #tpu.memory_space<hbm>>
        tpu.wait_dma2 semaphore(%run_scoped3A : memref<!tpu.dma_semaphore, #tpu.memory_space<semaphore_mem>>) src(%dma_wait3A_22 : memref<128xi32, #tpu.memory_space<hbm>>) dst(%arg8 : memref<128xi32, #tpu.memory_space<vmem>>)
        tpu.yield
      }) : () -> ()
      %dma_start3A = arith.constant 0 : i32
      %dma_start3A_15 = arith.constant 0 : i32
      %dma_start3A_16 = tpu.memref_slice %arg2[%dma_start3A, %dma_start3A_15] : memref<10112x128xf32, #tpu.memory_space<hbm>> -> memref<10112x128xf32, #tpu.memory_space<hbm>>
      tpu.enqueue_indirect_dma source(%dma_start3A_16 : memref<10112x128xf32, #tpu.memory_space<hbm>>) target(%arg9 : memref<128x128xf32, #tpu.memory_space<vmem>>) offsets(%arg7 : memref<128xi32, #tpu.memory_space<vmem>>) semaphore(%arg11 : memref<!tpu.dma_semaphore, #tpu.memory_space<semaphore_mem>>)
      %dma_wait3A = arith.constant 0 : i32
      %dma_wait3A_17 = arith.constant 0 : i32
      %dma_wait3A_18 = tpu.memref_slice %arg2[%dma_wait3A, %dma_wait3A_17] : memref<10112x128xf32, #tpu.memory_space<hbm>> -> memref<10112x128xf32, #tpu.memory_space<hbm>>
      tpu.wait_indirect_dma semaphore(%arg11 : memref<!tpu.dma_semaphore, #tpu.memory_space<semaphore_mem>>) src(%dma_wait3A_18 : memref<10112x128xf32, #tpu.memory_space<hbm>>) dst(%arg9 : memref<128x128xf32, #tpu.memory_space<vmem>>)
      "tpu.region"() ({
        %run_scoped3A = tpu.sem_alloc : memref<!tpu.dma_semaphore, #tpu.memory_space<semaphore_mem>>
        %dma_start3A_19 = arith.constant 0 : i32
        %dma_start3A_20 = arith.constant 0 : i32
        %dma_start3A_21 = tpu.memref_slice %arg10[%dma_start3A_19, %dma_start3A_20] : memref<10112x128xf32, #tpu.memory_space<vmem_shared>> -> memref<10112x128xf32, #tpu.memory_space<vmem_shared>>
        tpu.enqueue_indirect_dma source(%arg9 : memref<128x128xf32, #tpu.memory_space<vmem>>) target(%dma_start3A_21 : memref<10112x128xf32, #tpu.memory_space<vmem_shared>>) offsets(%arg8 : memref<128xi32, #tpu.memory_space<vmem>>) semaphore(%run_scoped3A : memref<!tpu.dma_semaphore, #tpu.memory_space<semaphore_mem>>) {add = true}
        %dma_wait3A_22 = arith.constant 0 : i32
        %dma_wait3A_23 = arith.constant 0 : i32
        %dma_wait3A_24 = tpu.memref_slice %arg10[%dma_wait3A_22, %dma_wait3A_23] : memref<10112x128xf32, #tpu.memory_space<vmem_shared>> -> memref<10112x128xf32, #tpu.memory_space<vmem_shared>>
        tpu.wait_indirect_dma semaphore(%run_scoped3A : memref<!tpu.dma_semaphore, #tpu.memory_space<semaphore_mem>>) src(%arg9 : memref<128x128xf32, #tpu.memory_space<vmem>>) dst(%dma_wait3A_24 : memref<10112x128xf32, #tpu.memory_space<vmem_shared>>)
        tpu.yield
      }) : () -> ()
    }
    %scan3A_7 = arith.constant 80 : i32
    %barrier3A_8 = arith.constant 0 : index
    tpu.barrier barrier_id(%barrier3A_8)
    "tpu.region"() ({
      %run_scoped3A = tpu.sem_alloc : memref<!tpu.dma_semaphore, #tpu.memory_space<semaphore_mem>>
      %dma_start3A = arith.constant 0 : i32
      %dma_start3A_9 = tpu.memref_slice %arg6[%arg0, %mul3A_2, %dma_start3A] : memref<2x10112x128xf32, #tpu.memory_space<hbm>> -> memref<1x632x128xf32, #tpu.memory_space<hbm>>
      %dma_start3A_10 = tpu.memref_squeeze %dma_start3A_9 : memref<1x632x128xf32, #tpu.memory_space<hbm>> -> memref<632x128xf32, #tpu.memory_space<hbm>>
      %dma_start3A_11 = arith.constant 0 : i32
      %dma_start3A_12 = tpu.memref_slice %arg10[%mul3A_2, %dma_start3A_11] : memref<10112x128xf32, #tpu.memory_space<vmem_shared>> -> memref<632x128xf32, #tpu.memory_space<vmem_shared>>
      tpu.enqueue_dma source(%dma_start3A_12 : memref<632x128xf32, #tpu.memory_space<vmem_shared>>) target(%dma_start3A_10 : memref<632x128xf32, #tpu.memory_space<hbm>>) target_semaphore(%run_scoped3A : memref<!tpu.dma_semaphore, #tpu.memory_space<semaphore_mem>>)
      %dma_wait3A = arith.constant 0 : i32
      %dma_wait3A_13 = tpu.memref_slice %arg6[%arg0, %mul3A_2, %dma_wait3A] : memref<2x10112x128xf32, #tpu.memory_space<hbm>> -> memref<1x632x128xf32, #tpu.memory_space<hbm>>
      %dma_wait3A_14 = tpu.memref_squeeze %dma_wait3A_13 : memref<1x632x128xf32, #tpu.memory_space<hbm>> -> memref<632x128xf32, #tpu.memory_space<hbm>>
      %dma_wait3A_15 = arith.constant 0 : i32
      %dma_wait3A_16 = tpu.memref_slice %arg10[%mul3A_2, %dma_wait3A_15] : memref<10112x128xf32, #tpu.memory_space<vmem_shared>> -> memref<632x128xf32, #tpu.memory_space<vmem_shared>>
      tpu.wait_dma2 semaphore(%run_scoped3A : memref<!tpu.dma_semaphore, #tpu.memory_space<semaphore_mem>>) src(%dma_wait3A_16 : memref<632x128xf32, #tpu.memory_space<vmem_shared>>) dst(%dma_wait3A_14 : memref<632x128xf32, #tpu.memory_space<hbm>>)
      tpu.yield
    }) : () -> ()
    return
  }
}

#map = affine_map<(d0, d1) -> (0, 0)>
#map1 = affine_map<(d0, d1) -> (0)>
#map2 = affine_map<(d0, d1) -> (0, 0, 0)>
module attributes {stable_mosaic.version = 14 : i64} {
  func.func @_scatter_sc(%arg0: i32, %arg1: i32, %arg2: memref<10112x128xf32, #tpu.memory_space<hbm>>, %arg3: memref<327680xi32, #tpu.memory_space<hbm>>, %arg4: memref<327680xi32, #tpu.memory_space<hbm>>, %arg5: memref<10112x128xf32, #tpu.memory_space<hbm>>, %arg6: memref<2x10112x128xf32, #tpu.memory_space<hbm>>, %arg7: memref<128xi32, #tpu.memory_space<vmem>>, %arg8: memref<128xi32, #tpu.memory_space<vmem>>, %arg9: memref<128x128xf32, #tpu.memory_space<vmem>>, %arg10: memref<10112x128xf32, #tpu.memory_space<vmem_shared>>, %arg11: memref<!tpu.dma_semaphore, #tpu.memory_space<semaphore_mem>>) attributes {dimension_semantics = [#tpu.dimension_semantics<core_parallel>, #tpu.dimension_semantics<subcore_parallel>], iteration_bounds = array<i64: 2, 16>, scalar_prefetch = 0 : i64, scratch_operands = 5 : i64, tpu.core_type = #tpu.core_type<sc_vector_subcore>, window_params = [{transform_indices = #map}, {transform_indices = #map1}, {transform_indices = #map1}, {transform_indices = #map}, {transform_indices = #map2}]} {
    %mul3A = arith.constant 2 : i32
    %mul3A_0 = arith.muli %arg1, %mul3A : i32
    %add3A = arith.addi %mul3A_0, %arg0 : i32
    %mul3A_1 = arith.constant 632 : i32
    %mul3A_2 = arith.muli %arg1, %mul3A_1 : i32
    "tpu.region"() ({
      %run_scoped3A = tpu.sem_alloc : memref<!tpu.dma_semaphore, #tpu.memory_space<semaphore_mem>>
      %dma_start3A = arith.constant 0 : i32
      %dma_start3A_9 = tpu.memref_slice %arg10[%mul3A_2, %dma_start3A] : memref<10112x128xf32, #tpu.memory_space<vmem_shared>> -> memref<632x128xf32, #tpu.memory_space<vmem_shared>>
      %dma_start3A_10 = arith.constant 0 : i32
      %dma_start3A_11 = tpu.memref_slice %arg5[%mul3A_2, %dma_start3A_10] : memref<10112x128xf32, #tpu.memory_space<hbm>> -> memref<632x128xf32, #tpu.memory_space<hbm>>
      tpu.enqueue_dma source(%dma_start3A_11 : memref<632x128xf32, #tpu.memory_space<hbm>>) target(%dma_start3A_9 : memref<632x128xf32, #tpu.memory_space<vmem_shared>>) target_semaphore(%run_scoped3A : memref<!tpu.dma_semaphore, #tpu.memory_space<semaphore_mem>>)
      %dma_wait3A = arith.constant 0 : i32
      %dma_wait3A_12 = tpu.memref_slice %arg10[%mul3A_2, %dma_wait3A] : memref<10112x128xf32, #tpu.memory_space<vmem_shared>> -> memref<632x128xf32, #tpu.memory_space<vmem_shared>>
      %dma_wait3A_13 = arith.constant 0 : i32
      %dma_wait3A_14 = tpu.memref_slice %arg5[%mul3A_2, %dma_wait3A_13] : memref<10112x128xf32, #tpu.memory_space<hbm>> -> memref<632x128xf32, #tpu.memory_space<hbm>>
      tpu.wait_dma2 semaphore(%run_scoped3A : memref<!tpu.dma_semaphore, #tpu.memory_space<semaphore_mem>>) src(%dma_wait3A_14 : memref<632x128xf32, #tpu.memory_space<hbm>>) dst(%dma_wait3A_12 : memref<632x128xf32, #tpu.memory_space<vmem_shared>>)
      tpu.yield
    }) : () -> ()
    %barrier3A = arith.constant 0 : index
    tpu.barrier barrier_id(%barrier3A)
    %scan3A = arith.constant 0 : i32
    %scan3A_3 = arith.constant 0 : i32
    %scan3A_4 = arith.constant 80 : i32
    %scan3A_5 = arith.addi %scan3A_3, %scan3A_4 : i32
    %scan3A_6 = arith.constant 1 : i32
    scf.for %scan3A_9 = %scan3A_3 to %scan3A_5 step %scan3A_6  : i32 {
      %mul3A_10 = arith.constant 80 : i32
      %mul3A_11 = arith.muli %add3A, %mul3A_10 : i32
      %add3A_12 = arith.addi %mul3A_11, %scan3A_9 : i32
      %mul3A_13 = arith.constant 128 : i32
      %mul3A_14 = arith.muli %add3A_12, %mul3A_13 : i32
      "tpu.region"() ({
        %run_scoped3A = tpu.sem_alloc : memref<!tpu.dma_semaphore, #tpu.memory_space<semaphore_mem>>
        %dma_start3A_19 = tpu.memref_slice %arg3[%mul3A_14] : memref<327680xi32, #tpu.memory_space<hbm>> -> memref<128xi32, #tpu.memory_space<hbm>>
        %dma_start3A_20 = tpu.memref_slice %arg3[%mul3A_14] : memref<327680xi32, #tpu.memory_space<hbm>> -> memref<128xi32, #tpu.memory_space<hbm>>
        tpu.enqueue_dma source(%dma_start3A_20 : memref<128xi32, #tpu.memory_space<hbm>>) target(%arg7 : memref<128xi32, #tpu.memory_space<vmem>>) target_semaphore(%run_scoped3A : memref<!tpu.dma_semaphore, #tpu.memory_space<semaphore_mem>>)
        %dma_wait3A_21 = tpu.memref_slice %arg3[%mul3A_14] : memref<327680xi32, #tpu.memory_space<hbm>> -> memref<128xi32, #tpu.memory_space<hbm>>
        %dma_wait3A_22 = tpu.memref_slice %arg3[%mul3A_14] : memref<327680xi32, #tpu.memory_space<hbm>> -> memref<128xi32, #tpu.memory_space<hbm>>
        tpu.wait_dma2 semaphore(%run_scoped3A : memref<!tpu.dma_semaphore, #tpu.memory_space<semaphore_mem>>) src(%dma_wait3A_22 : memref<128xi32, #tpu.memory_space<hbm>>) dst(%arg7 : memref<128xi32, #tpu.memory_space<vmem>>)
        tpu.yield
      }) : () -> ()
      "tpu.region"() ({
        %run_scoped3A = tpu.sem_alloc : memref<!tpu.dma_semaphore, #tpu.memory_space<semaphore_mem>>
        %dma_start3A_19 = tpu.memref_slice %arg4[%mul3A_14] : memref<327680xi32, #tpu.memory_space<hbm>> -> memref<128xi32, #tpu.memory_space<hbm>>
        %dma_start3A_20 = tpu.memref_slice %arg4[%mul3A_14] : memref<327680xi32, #tpu.memory_space<hbm>> -> memref<128xi32, #tpu.memory_space<hbm>>
        tpu.enqueue_dma source(%dma_start3A_20 : memref<128xi32, #tpu.memory_space<hbm>>) target(%arg8 : memref<128xi32, #tpu.memory_space<vmem>>) target_semaphore(%run_scoped3A : memref<!tpu.dma_semaphore, #tpu.memory_space<semaphore_mem>>)
        %dma_wait3A_21 = tpu.memref_slice %arg4[%mul3A_14] : memref<327680xi32, #tpu.memory_space<hbm>> -> memref<128xi32, #tpu.memory_space<hbm>>
        %dma_wait3A_22 = tpu.memref_slice %arg4[%mul3A_14] : memref<327680xi32, #tpu.memory_space<hbm>> -> memref<128xi32, #tpu.memory_space<hbm>>
        tpu.wait_dma2 semaphore(%run_scoped3A : memref<!tpu.dma_semaphore, #tpu.memory_space<semaphore_mem>>) src(%dma_wait3A_22 : memref<128xi32, #tpu.memory_space<hbm>>) dst(%arg8 : memref<128xi32, #tpu.memory_space<vmem>>)
        tpu.yield
      }) : () -> ()
      %dma_start3A = arith.constant 0 : i32
      %dma_start3A_15 = arith.constant 0 : i32
      %dma_start3A_16 = tpu.memref_slice %arg2[%dma_start3A, %dma_start3A_15] : memref<10112x128xf32, #tpu.memory_space<hbm>> -> memref<10112x128xf32, #tpu.memory_space<hbm>>
      tpu.enqueue_indirect_dma source(%dma_start3A_16 : memref<10112x128xf32, #tpu.memory_space<hbm>>) target(%arg9 : memref<128x128xf32, #tpu.memory_space<vmem>>) offsets(%arg7 : memref<128xi32, #tpu.memory_space<vmem>>) semaphore(%arg11 : memref<!tpu.dma_semaphore, #tpu.memory_space<semaphore_mem>>)
      %dma_wait3A = arith.constant 0 : i32
      %dma_wait3A_17 = arith.constant 0 : i32
      %dma_wait3A_18 = tpu.memref_slice %arg2[%dma_wait3A, %dma_wait3A_17] : memref<10112x128xf32, #tpu.memory_space<hbm>> -> memref<10112x128xf32, #tpu.memory_space<hbm>>
      tpu.wait_indirect_dma semaphore(%arg11 : memref<!tpu.dma_semaphore, #tpu.memory_space<semaphore_mem>>) src(%dma_wait3A_18 : memref<10112x128xf32, #tpu.memory_space<hbm>>) dst(%arg9 : memref<128x128xf32, #tpu.memory_space<vmem>>)
      "tpu.region"() ({
        %run_scoped3A = tpu.sem_alloc : memref<!tpu.dma_semaphore, #tpu.memory_space<semaphore_mem>>
        %dma_start3A_19 = arith.constant 0 : i32
        %dma_start3A_20 = arith.constant 0 : i32
        %dma_start3A_21 = tpu.memref_slice %arg10[%dma_start3A_19, %dma_start3A_20] : memref<10112x128xf32, #tpu.memory_space<vmem_shared>> -> memref<10112x128xf32, #tpu.memory_space<vmem_shared>>
        tpu.enqueue_indirect_dma source(%arg9 : memref<128x128xf32, #tpu.memory_space<vmem>>) target(%dma_start3A_21 : memref<10112x128xf32, #tpu.memory_space<vmem_shared>>) offsets(%arg8 : memref<128xi32, #tpu.memory_space<vmem>>) semaphore(%run_scoped3A : memref<!tpu.dma_semaphore, #tpu.memory_space<semaphore_mem>>) {add = true}
        %dma_wait3A_22 = arith.constant 0 : i32
        %dma_wait3A_23 = arith.constant 0 : i32
        %dma_wait3A_24 = tpu.memref_slice %arg10[%dma_wait3A_22, %dma_wait3A_23] : memref<10112x128xf32, #tpu.memory_space<vmem_shared>> -> memref<10112x128xf32, #tpu.memory_space<vmem_shared>>
        tpu.wait_indirect_dma semaphore(%run_scoped3A : memref<!tpu.dma_semaphore, #tpu.memory_space<semaphore_mem>>) src(%arg9 : memref<128x128xf32, #tpu.memory_space<vmem>>) dst(%dma_wait3A_24 : memref<10112x128xf32, #tpu.memory_space<vmem_shared>>)
        tpu.yield
      }) : () -> ()
    }
    %scan3A_7 = arith.constant 80 : i32
    %barrier3A_8 = arith.constant 0 : index
    tpu.barrier barrier_id(%barrier3A_8)
    "tpu.region"() ({
      %run_scoped3A = tpu.sem_alloc : memref<!tpu.dma_semaphore, #tpu.memory_space<semaphore_mem>>
      %dma_start3A = arith.constant 0 : i32
      %dma_start3A_9 = tpu.memref_slice %arg6[%arg0, %mul3A_2, %dma_start3A] : memref<2x10112x128xf32, #tpu.memory_space<hbm>> -> memref<1x632x128xf32, #tpu.memory_space<hbm>>
      %dma_start3A_10 = tpu.memref_squeeze %dma_start3A_9 : memref<1x632x128xf32, #tpu.memory_space<hbm>> -> memref<632x128xf32, #tpu.memory_space<hbm>>
      %dma_start3A_11 = arith.constant 0 : i32
      %dma_start3A_12 = tpu.memref_slice %arg10[%mul3A_2, %dma_start3A_11] : memref<10112x128xf32, #tpu.memory_space<vmem_shared>> -> memref<632x128xf32, #tpu.memory_space<vmem_shared>>
      tpu.enqueue_dma source(%dma_start3A_12 : memref<632x128xf32, #tpu.memory_space<vmem_shared>>) target(%dma_start3A_10 : memref<632x128xf32, #tpu.memory_space<hbm>>) target_semaphore(%run_scoped3A : memref<!tpu.dma_semaphore, #tpu.memory_space<semaphore_mem>>)
      %dma_wait3A = arith.constant 0 : i32
      %dma_wait3A_13 = tpu.memref_slice %arg6[%arg0, %mul3A_2, %dma_wait3A] : memref<2x10112x128xf32, #tpu.memory_space<hbm>> -> memref<1x632x128xf32, #tpu.memory_space<hbm>>
      %dma_wait3A_14 = tpu.memref_squeeze %dma_wait3A_13 : memref<1x632x128xf32, #tpu.memory_space<hbm>> -> memref<632x128xf32, #tpu.memory_space<hbm>>
      %dma_wait3A_15 = arith.constant 0 : i32
      %dma_wait3A_16 = tpu.memref_slice %arg10[%mul3A_2, %dma_wait3A_15] : memref<10112x128xf32, #tpu.memory_space<vmem_shared>> -> memref<632x128xf32, #tpu.memory_space<vmem_shared>>
      tpu.wait_dma2 semaphore(%run_scoped3A : memref<!tpu.dma_semaphore, #tpu.memory_space<semaphore_mem>>) src(%dma_wait3A_16 : memref<632x128xf32, #tpu.memory_space<vmem_shared>>) dst(%dma_wait3A_14 : memref<632x128xf32, #tpu.memory_space<hbm>>)
      tpu.yield
    }) : () -> ()
    return
  }
}

module attributes {stable_mosaic.version = 14 : i64} {
  func.func @_dense1_body(%arg0: memref<10112x32xf32, #tpu.memory_space<vmem>>, %arg1: memref<10112x128xf32, #tpu.memory_space<vmem>>, %arg2: memref<128x128xf32, #tpu.memory_space<vmem>>, %arg3: memref<10112x128xf32, #tpu.memory_space<vmem>>) attributes {dimension_semantics = [], scalar_prefetch = 0 : i64, scratch_operands = 0 : i64, tpu.core_type = #tpu.core_type<tc>} {
    %get3A = arith.constant 0 : index
    %get3A_0 = arith.constant 0 : index
    %get3A_1 = vector.load %arg1[%get3A, %get3A_0] : memref<10112x128xf32, #tpu.memory_space<vmem>>, vector<10112x128xf32>
    %get3A_2 = arith.constant 0 : index
    %get3A_3 = arith.constant 0 : index
    %get3A_4 = vector.load %arg2[%get3A_2, %get3A_3] : memref<128x128xf32, #tpu.memory_space<vmem>>, vector<128x128xf32>
    %dot_general3A = arith.constant dense<0.000000e+00> : vector<10112x128xf32>
    %dot_general3A_5 = tpu.matmul %get3A_1, %get3A_4, %dot_general3A {dimension_numbers = #tpu.dot_dimension_numbers<[1], [0], [0], [1], [0, 0, 1, 1], [], []>, transpose_lhs_hint = false} : vector<10112x128xf32>, vector<128x128xf32>, vector<10112x128xf32> -> vector<10112x128xf32>
    %get3A_6 = arith.constant 0 : index
    %get3A_7 = arith.constant 0 : index
    %get3A_8 = vector.load %arg0[%get3A_6, %get3A_7] : memref<10112x32xf32, #tpu.memory_space<vmem>>, vector<10112x32xf32>
    %reduce_sum3A = arith.constant dense<0.000000e+00> : vector<10112xf32>
    %reduce_sum3A_9 = vector.multi_reduction <add>, %get3A_8, %reduce_sum3A [1] : vector<10112x32xf32> to vector<10112xf32>
    %broadcast_in_dim3A = vector.shape_cast %reduce_sum3A_9 : vector<10112xf32> to vector<10112x1xf32>
    %add3A = arith.constant 1.000000e+00 : f32
    %add3A_10 = vector.broadcast %add3A : f32 to vector<10112x1xf32>
    %add3A_11 = arith.addf %broadcast_in_dim3A, %add3A_10 : vector<10112x1xf32>
    %rsqrt3A = math.rsqrt %add3A_11 : vector<10112x1xf32>
    %mul3A = vector.broadcast %rsqrt3A : vector<10112x1xf32> to vector<10112x128xf32>
    %mul3A_12 = arith.mulf %mul3A, %dot_general3A_5 : vector<10112x128xf32>
    %swap3A = arith.constant 0 : index
    %swap3A_13 = arith.constant 0 : index
    %swap3A_14 = vector.load %arg3[%swap3A, %swap3A_13] : memref<10112x128xf32, #tpu.memory_space<vmem>>, vector<10112x128xf32>
    tpu.vector_store %arg3[%swap3A, %swap3A_13], %mul3A_12 {strides = array<i32>} : memref<10112x128xf32, #tpu.memory_space<vmem>>, vector<10112x128xf32>,
    return
  }
}

module attributes {stable_mosaic.version = 14 : i64} {
  func.func @_dense2_body(%arg0: memref<10112x32xf32, #tpu.memory_space<vmem>>, %arg1: memref<10112x128xf32, #tpu.memory_space<vmem>>, %arg2: memref<10112x128xf32, #tpu.memory_space<vmem>>, %arg3: memref<10112x128xf32, #tpu.memory_space<vmem>>, %arg4: memref<128x128xf32, #tpu.memory_space<vmem>>, %arg5: memref<1x128xf32, #tpu.memory_space<vmem>>, %arg6: memref<10112x128xf32, #tpu.memory_space<vmem>>) attributes {dimension_semantics = [], scalar_prefetch = 0 : i64, scratch_operands = 0 : i64, tpu.core_type = #tpu.core_type<tc>} {
    %get3A = arith.constant 0 : index
    %get3A_0 = arith.constant 0 : index
    %get3A_1 = vector.load %arg0[%get3A, %get3A_0] : memref<10112x32xf32, #tpu.memory_space<vmem>>, vector<10112x32xf32>
    %reduce_sum3A = arith.constant dense<0.000000e+00> : vector<10112xf32>
    %reduce_sum3A_2 = vector.multi_reduction <add>, %get3A_1, %reduce_sum3A [1] : vector<10112x32xf32> to vector<10112xf32>
    %broadcast_in_dim3A = vector.shape_cast %reduce_sum3A_2 : vector<10112xf32> to vector<10112x1xf32>
    %add3A = arith.constant 1.000000e+00 : f32
    %add3A_3 = vector.broadcast %add3A : f32 to vector<10112x1xf32>
    %add3A_4 = arith.addf %broadcast_in_dim3A, %add3A_3 : vector<10112x1xf32>
    %rsqrt3A = math.rsqrt %add3A_4 : vector<10112x1xf32>
    %get3A_5 = arith.constant 0 : index
    %get3A_6 = arith.constant 0 : index
    %get3A_7 = vector.load %arg1[%get3A_5, %get3A_6] : memref<10112x128xf32, #tpu.memory_space<vmem>>, vector<10112x128xf32>
    %get3A_8 = arith.constant 0 : index
    %get3A_9 = arith.constant 0 : index
    %get3A_10 = vector.load %arg2[%get3A_8, %get3A_9] : memref<10112x128xf32, #tpu.memory_space<vmem>>, vector<10112x128xf32>
    %add3A_11 = arith.addf %get3A_7, %get3A_10 : vector<10112x128xf32>
    %get3A_12 = arith.constant 0 : index
    %get3A_13 = arith.constant 0 : index
    %get3A_14 = vector.load %arg3[%get3A_12, %get3A_13] : memref<10112x128xf32, #tpu.memory_space<vmem>>, vector<10112x128xf32>
    %add3A_15 = arith.addf %add3A_11, %get3A_14 : vector<10112x128xf32>
    %mul3A = vector.broadcast %rsqrt3A : vector<10112x1xf32> to vector<10112x128xf32>
    %mul3A_16 = arith.mulf %mul3A, %add3A_15 : vector<10112x128xf32>
    %get3A_17 = arith.constant 0 : index
    %get3A_18 = arith.constant 0 : index
    %get3A_19 = vector.load %arg5[%get3A_17, %get3A_18] : memref<1x128xf32, #tpu.memory_space<vmem>>, vector<1x128xf32>
    %add3A_20 = vector.broadcast %get3A_19 : vector<1x128xf32> to vector<10112x128xf32>
    %add3A_21 = arith.addf %mul3A_16, %add3A_20 : vector<10112x128xf32>
    %max3A = arith.constant 0.000000e+00 : f32
    %max3A_22 = vector.broadcast %max3A : f32 to vector<10112x128xf32>
    %max3A_23 = arith.maximumf %add3A_21, %max3A_22 : vector<10112x128xf32>
    %get3A_24 = arith.constant 0 : index
    %get3A_25 = arith.constant 0 : index
    %get3A_26 = vector.load %arg4[%get3A_24, %get3A_25] : memref<128x128xf32, #tpu.memory_space<vmem>>, vector<128x128xf32>
    %dot_general3A = arith.constant dense<0.000000e+00> : vector<10112x128xf32>
    %dot_general3A_27 = tpu.matmul %max3A_23, %get3A_26, %dot_general3A {dimension_numbers = #tpu.dot_dimension_numbers<[1], [0], [0], [1], [0, 0, 1, 1], [], []>, transpose_lhs_hint = false} : vector<10112x128xf32>, vector<128x128xf32>, vector<10112x128xf32> -> vector<10112x128xf32>
    %mul3A_28 = vector.broadcast %rsqrt3A : vector<10112x1xf32> to vector<10112x128xf32>
    %mul3A_29 = arith.mulf %mul3A_28, %dot_general3A_27 : vector<10112x128xf32>
    %swap3A = arith.constant 0 : index
    %swap3A_30 = arith.constant 0 : index
    %swap3A_31 = vector.load %arg6[%swap3A, %swap3A_30] : memref<10112x128xf32, #tpu.memory_space<vmem>>, vector<10112x128xf32>
    tpu.vector_store %arg6[%swap3A, %swap3A_30], %mul3A_29 {strides = array<i32>} : memref<10112x128xf32, #tpu.memory_space<vmem>>, vector<10112x128xf32>,
    return
  }
}

module attributes {stable_mosaic.version = 14 : i64} {
  func.func @_dense3_body(%arg0: memref<10112x32xf32, #tpu.memory_space<vmem>>, %arg1: memref<10112x128xf32, #tpu.memory_space<vmem>>, %arg2: memref<10112x128xf32, #tpu.memory_space<vmem>>, %arg3: memref<10112x128xf32, #tpu.memory_space<vmem>>, %arg4: memref<1x128xf32, #tpu.memory_space<vmem>>, %arg5: memref<10112x128xf32, #tpu.memory_space<vmem>>) attributes {dimension_semantics = [], scalar_prefetch = 0 : i64, scratch_operands = 0 : i64, tpu.core_type = #tpu.core_type<tc>} {
    %get3A = arith.constant 0 : index
    %get3A_0 = arith.constant 0 : index
    %get3A_1 = vector.load %arg0[%get3A, %get3A_0] : memref<10112x32xf32, #tpu.memory_space<vmem>>, vector<10112x32xf32>
    %reduce_sum3A = arith.constant dense<0.000000e+00> : vector<10112xf32>
    %reduce_sum3A_2 = vector.multi_reduction <add>, %get3A_1, %reduce_sum3A [1] : vector<10112x32xf32> to vector<10112xf32>
    %broadcast_in_dim3A = vector.shape_cast %reduce_sum3A_2 : vector<10112xf32> to vector<10112x1xf32>
    %add3A = arith.constant 1.000000e+00 : f32
    %add3A_3 = vector.broadcast %add3A : f32 to vector<10112x1xf32>
    %add3A_4 = arith.addf %broadcast_in_dim3A, %add3A_3 : vector<10112x1xf32>
    %rsqrt3A = math.rsqrt %add3A_4 : vector<10112x1xf32>
    %get3A_5 = arith.constant 0 : index
    %get3A_6 = arith.constant 0 : index
    %get3A_7 = vector.load %arg1[%get3A_5, %get3A_6] : memref<10112x128xf32, #tpu.memory_space<vmem>>, vector<10112x128xf32>
    %get3A_8 = arith.constant 0 : index
    %get3A_9 = arith.constant 0 : index
    %get3A_10 = vector.load %arg2[%get3A_8, %get3A_9] : memref<10112x128xf32, #tpu.memory_space<vmem>>, vector<10112x128xf32>
    %add3A_11 = arith.addf %get3A_7, %get3A_10 : vector<10112x128xf32>
    %get3A_12 = arith.constant 0 : index
    %get3A_13 = arith.constant 0 : index
    %get3A_14 = vector.load %arg3[%get3A_12, %get3A_13] : memref<10112x128xf32, #tpu.memory_space<vmem>>, vector<10112x128xf32>
    %add3A_15 = arith.addf %add3A_11, %get3A_14 : vector<10112x128xf32>
    %mul3A = vector.broadcast %rsqrt3A : vector<10112x1xf32> to vector<10112x128xf32>
    %mul3A_16 = arith.mulf %mul3A, %add3A_15 : vector<10112x128xf32>
    %get3A_17 = arith.constant 0 : index
    %get3A_18 = arith.constant 0 : index
    %get3A_19 = vector.load %arg4[%get3A_17, %get3A_18] : memref<1x128xf32, #tpu.memory_space<vmem>>, vector<1x128xf32>
    %add3A_20 = vector.broadcast %get3A_19 : vector<1x128xf32> to vector<10112x128xf32>
    %add3A_21 = arith.addf %mul3A_16, %add3A_20 : vector<10112x128xf32>
    %swap3A = arith.constant 0 : index
    %swap3A_22 = arith.constant 0 : index
    %swap3A_23 = vector.load %arg5[%swap3A, %swap3A_22] : memref<10112x128xf32, #tpu.memory_space<vmem>>, vector<10112x128xf32>
    tpu.vector_store %arg5[%swap3A, %swap3A_22], %add3A_21 {strides = array<i32>} : memref<10112x128xf32, #tpu.memory_space<vmem>>, vector<10112x128xf32>,
    return
  }
}

</mosaic_0001>

<sc_bundles>
// kernel: kernel.11.cloned.1.call-start
scs
__scs_entry_jumppad:
0x0: {  	(pc) =	sbr.rel $0x88, $3  }
0x1: {  	(tag) =	ssettag $0x0;
	lr =	simm.s32 $0x1  }
0x2: {  	[smem:$0x3F9B] =	sst lr;
	_ =	strace $0xD0000000  }
0x3: {  	_ = 	snop  }
0x4: {  	_ = 	snop  }
0x5: {  	_ = 	snop  }
0x6: {  	_ = 	snop  }
0x7: {  	_ = 	snop  }
__scs_overlays_trampoline_lowered:
0x8: {  	[smem:$0x3FAA] =	sst s0  }
0x9: {  	[smem:$0x3FAB] =	sst s1  }
0xa: {  	[smem:$0x3FAC] =	sst s2  }
0xb: {  	[smem:$0x3FAD] =	sst s3  }
0xc: {  	[smem:$0x3FAE] =	sst s4  }
0xd: {  	[smem:$0x3FAF] =	sst s5  }
0xe: {  	[smem:$0x3FB0] =	sst s6  }
0xf: {  	[smem:$0x3FB1] =	sst s7  }
0x10: {  	[smem:$0x3FB2] =	sst s8  }
0x11: {  	[smem:$0x3FB3] =	sst s9;
	s0 =	simm.s32 @!p0 $0x0  }
0x12: {  	s1 =	sld [smem:$0x3F99];
	s0 =	simm.s32 @p0 $0x1  }
0x13: {  	[smem:$0x3FB4] =	sst s0;
	s0 =	simm.s32 @!p1 $0x0  }
0x14: {  	s2 =	sld [smem:$0x3F98];
	s0 =	simm.s32 @p1 $0x1  }
0x15: {  	[smem:$0x3FB5] =	sst s0;
	s0 =	simm.s32 @!p2 $0x0  }
0x16: {  	s3 =	sld [smem:$0x3FDB];
	s0 =	simm.s32 @p2 $0x1  }
0x17: {  	s4 =	simm.s32 $0x1BF5;
	[smem:$0x3FB7] =	sst s0  }
0x18: {  	s0 =	sld [smem:$0x3F9A];
	_ =	swait.ge [sflag:s4], $0x0  }
0x19: {  	s7 =	sld [smem:$0x3F9B]  }
0x1a: {  	s8 =	sadd.s32 $0xFFFFE003, lr  }
0x1b: {  	s9 =	sadd.s32 $0xFFFFFEF7, lr;
	s5 =	simm.s32 $0xFFFFFFFF;
	p2 =	slt.u32 s8, $0xFFFFF086  }
0x1c: {  	p1 =	slt.u32 s9, $0xF7A;
	s5 =	simm.s32 @!p2 $0x0  }
0x1d: {  	s5 =	simm.s32 @p1 $0x1;
	p0 =	seq.s32 s7, s2  }
0x1e: {  	s7 =	smul.u32 @!p0 $0xF7A, s2;
	p2 =	seq.s32 @!p0 s5, $0x0  }
0x1f: {  	s9 =	smul.u32 $0xF7A, s1;
	s8 =	simm.s32 @!p0 $0x1BF5;
	p2 =	por !p2, p0  }
0x20: {  	[sflag:s8] =	ssyncset.s32 @!p0 $0xFFFFF086;
	s6 =	sadd.s32 @!p0 s3, s7;
	s7 =	simm.s32 @!p0 $0x108  }
0x21: {  	s3 =	sadd.s32 s3, s9;
	s6 =	sadd.s32 @!p0 $0x88, s6;
	s7 =	simm.s32 @p2 $0x1082  }
0x22: {  	[simem:s7], [sflag:s8] =	dma.local @!p0 [hbm:s6], $0xF7A  }
0x23: {  	s9 =	sor.u32 $0xD0000000, s2;
	s6 =	simm.s32 $0x108;
	_ =	swait.ge @!p0 [sflag:s8], $0x0  }
0x24: {  	s3 =	sadd.s32 $0x88, s3;
	s6 =	simm.s32 @!p1 $0x1082;
	[sflag:s4] =	ssyncset.s32 $0xFFFFF086  }
0x25: {  	[simem:s6], [sflag:s4] =	dma.local [hbm:s3], $0xF7A  }
0x26: {  	[smem:$0x3F9B] =	sst s1;
	(tag) =	ssettag s2;
	_ =	strace s9  }
0x27: {  	s1 =	sld [smem:$0x3FAB]  }
0x28: {  	s2 =	sld [smem:$0x3FAC]  }
0x29: {  	s4 =	sld [smem:$0x3FAE]  }
0x2a: {  	p0 =	seq.s32 s5, $0x0;
	s5 =	sld [smem:$0x3FAF]  }
0x2b: {  	s6 =	sld [smem:$0x3FB0]  }
0x2c: {  	s7 =	sld [smem:$0x3FB1]  }
0x2d: {  	s3 =	simm.s32 $0x108;
	s8 =	sld [smem:$0x3FB2]  }
0x2e: {  	s3 =	simm.s32 @!p0 $0x1082;
	s9 =	sld [smem:$0x3FB3]  }
0x2f: {  	lr =	sadd.s32 s0, s3;
	s0 =	sld [smem:$0x3FAA]  }
0x30: {  	s3 =	sld [smem:$0x3FAD]  }
0x31: {  	[smem:$0x3FB6] =	sst s10  }
0x32: {  	s10 =	sld [smem:$0x3FB4];
	_ =	sdelay $0x3  }
0x33: {  	p0 =	seq.s32 s10, $0x1;
	s10 =	sld [smem:$0x3FB6];
	_ =	sdelay $0x3  }
0x34: {  	[smem:$0x3FB6] =	sst s10  }
0x35: {  	s10 =	sld [smem:$0x3FB5];
	_ =	sdelay $0x3  }
0x36: {  	p1 =	seq.s32 s10, $0x1;
	s10 =	sld [smem:$0x3FB6];
	_ =	sdelay $0x3  }
0x37: {  	[smem:$0x3FB6] =	sst s10  }
0x38: {  	s10 =	sld [smem:$0x3FB7]  }
0x39: {  	_ = 	snop;
	(pc) =	sbr.ind lr, $3  }
0x3a: {  	_ = 	snop  }
0x3b: {  	_ = 	snop  }
0x3c: {  	p2 =	seq.s32 s10, $0x1;
	s10 =	sld [smem:$0x3FB6]  }
0x3d: {  	_ =	shalt  }
0x3e: {  	_ =	shalt  }
0x3f: {  	_ =	shalt  }
0x40: {  	_ =	shalt  }
0x41: {  	_ =	shalt  }
0x42: {  	_ =	shalt  }
0x43: {  	_ =	shalt  }
0x44: {  	_ =	shalt  }
0x45: {  	_ =	shalt  }
0x46: {  	_ =	shalt  }
0x47: {  	_ =	shalt  }
0x48: {  	_ =	shalt  }
0x49: {  	_ =	shalt  }
0x4a: {  	_ =	shalt  }
0x4b: {  	_ =	shalt  }
0x4c: {  	_ =	shalt  }
0x4d: {  	_ =	shalt  }
0x4e: {  	_ =	shalt  }
0x4f: {  	_ =	shalt  }
0x50: {  	_ =	shalt  }
0x51: {  	_ =	shalt  }
0x52: {  	_ =	shalt  }
0x53: {  	_ =	shalt  }
0x54: {  	_ =	shalt  }
0x55: {  	_ =	shalt  }
0x56: {  	_ =	shalt  }
0x57: {  	_ =	shalt  }
0x58: {  	_ =	shalt  }
0x59: {  	_ =	shalt  }
0x5a: {  	_ =	shalt  }
0x5b: {  	_ =	shalt  }
0x5c: {  	_ =	shalt  }
0x5d: {  	_ =	shalt  }
0x5e: {  	_ =	shalt  }
0x5f: {  	_ =	shalt  }
0x60: {  	_ =	shalt  }
0x61: {  	_ =	shalt  }
0x62: {  	_ =	shalt  }
0x63: {  	_ =	shalt  }
0x64: {  	_ =	shalt  }
0x65: {  	_ =	shalt  }
0x66: {  	_ =	shalt  }
0x67: {  	_ =	shalt  }
0x68: {  	_ =	shalt  }
0x69: {  	_ =	shalt  }
0x6a: {  	_ =	shalt  }
0x6b: {  	_ =	shalt  }
0x6c: {  	_ =	shalt  }
0x6d: {  	_ =	shalt  }
0x6e: {  	_ =	shalt  }
0x6f: {  	_ =	shalt  }
0x70: {  	_ =	shalt  }
0x71: {  	_ =	shalt  }
0x72: {  	_ =	shalt  }
0x73: {  	_ =	shalt  }
0x74: {  	_ =	shalt  }
0x75: {  	_ =	shalt  }
0x76: {  	_ =	shalt  }
0x77: {  	_ =	shalt  }
0x78: {  	_ =	shalt  }
0x79: {  	_ =	shalt  }
0x7a: {  	_ =	shalt  }
0x7b: {  	_ =	shalt  }
0x7c: {  	_ =	shalt  }
0x7d: {  	_ =	shalt  }
0x7e: {  	_ =	shalt  }
0x7f: {  	_ =	shalt  }
0x80: {  	_ =	shalt  }
0x81: {  	_ =	shalt  }
0x82: {  	_ =	shalt  }
0x83: {  	_ =	shalt  }
0x84: {  	_ =	shalt  }
0x85: {  	_ =	shalt  }
0x86: {  	_ =	shalt  }
0x87: {  	_ =	shalt  }
.Lfunc_end0:
.L_simem_size_0:
called_computation.1_lowered:
.L_overlay_start_0:
0x88: {  	s2 =	sld [smem:$0x3FD9]  }
0x89: {  	s3 =	sld [smem:$0x3FFE];
	_ =	sdelay $0x1  }
0x8a: {  	s1 =	srdreg.scid  }
0x8b: {  	s0 =	sand.u32 $0x1, s1  }
0x8c: {  	s17 =	sshll.u32 s0, $0xA;
	s2 =	sadd.s32 s3, s2  }
0x8d: {  	s2 =	sadd.s32 s2, s17  }
0x8e: {  	[smem:$0x3FC2] =	sst s2  }
0x8f: {  	_ = 	snop  }
0x90: {  	s2 =	sld [smem:$0x3FD0];
	(tm) =	ssettm $0x1  }
0x91: {  	s18 =	sld [smem:$0x3FFB];
	_ =	sdelay $0x3  }
0x92: {  	_ =	strace s18  }
0x93: {  	s3 =	sld [smem:$0x3FFC];
	_ =	sdelay $0x3  }
0x94: {  	_ =	strace s3  }
0x95: {  	s3 =	sld [smem:$0x3FFD];
	_ =	sdelay $0x3  }
0x96: {  	_ =	strace s3  }
0x97: {  	_ =	strace $0x8FFFFFFF  }
0x98: {  	s19 =	sld [smem:$0x3FDB];
	_ =	sdelay $0x1  }
0x99: {  	s4 =	simm.s32 $_scs_section_size  }
0x9a: {  	s5 =	simm.s32 $_size__tile_overlayer_lowered;
	s6 =	simm.s32 $_tile_overlayer_lowered  }
0x9b: {  	s22 =	simm.s32 $0x1BFF;
	s21 =	sshll.u32 s6, $0x1;
	s3 =	sadd.s32 s4, s19  }
0x9c: {  	s7 =	simm.s32 $0x0;
	s20 =	sshll.u32 s5, $0x1;
	s5 =	sadd.s32 s21, s3  }
0x9d: {  	[timem:s7], [sflag:s22] =	dma.local [hbm:s5], s20  }
0x9e: {  	_ =	swait.ge [sflag:s22], s20  }
0x9f: {  	s4 =	ssub.s32 $0x0, s20;
	[sflag:s22] =	ssyncset.done $0x0  }
0xa0: {  	[sflag:s22] =	ssyncadd.s32 s4;
	_ =	sdelay $0x1  }
0xa1: {  	s23 =	simm.s32 $0x1B8B  }
0xa2: {  	_ =	swait.ge [sflag:s23], $0x1  }
0xa3: {  	[sflag:s23] =	ssyncset.done $0x0  }
0xa4: {  	s25 =	simm.s32 $0x1B8E;
	s24 =	sld [smem:$0x3FFE];
	[sflag:s23] =	ssyncadd.s32 $0xFFFFFFFF  }
0xa5: {  	s26 =	simm.s32 $execute0_lowered;
	[smem:$0x3FD2] =	sst s25  }
0xa6: {  	s5 =	sshll.u32 s26, $0x1;
	_ =	strace $0x80000049;
	[dreg:$0x1] =	wrdreg $0xFFFFFFFF  }
0xa7: {  	s28 =	simm.s32 $_size_execute0_lowered;
	s3 =	sadd.s32 s3, s5;
	[dreg:$0x0] =	wrdreg $0x0  }
0xa8: {  	s5 =	sshll.u32 s28, $0x1;
	[dreg:$0x2] =	wrdreg s3  }
0xa9: {  	[dreg:$0x3] =	wrdreg s5  }
0xaa: {  	[dreg:$0x4] =	wrdreg $0xC0  }
0xab: {  	_ =	task [dreg:s7], $0x5FFFF  }
0xac: {  	[dreg:$0x1] =	wrdreg $0xFFFFFFFF  }
0xad: {  	[dreg:$0x0] =	wrdreg $0x60  }
0xae: {  	[dreg:$0x2] =	wrdreg s24  }
0xaf: {  	[dreg:$0x3] =	wrdreg s2  }
0xb0: {  	[dreg:$0x4] =	wrdreg $0x41000  }
0xb1: {  	[dreg:$0x5] =	wrdreg $0x9  }
0xb2: {  	_ =	task.clear_ibuf [dreg:s7], $0x6FFFF;
	_ =	strace $0x90000049  }
0xb3: {  	s29 =	simm.s32 $0x9;
	_ =	strace $0x8000004B  }
0xb4: {  	_ =	swait.ge [sflag:s29], $0x1  }
0xb5: {  	[sflag:s29] =	ssyncadd.s32 $0xFFFFFFFF  }
0xb6: {  	_ =	strace $0x9000004B  }
0xb7: {  	_ =	sfence  }
0xb8: {  	s30 =	sld [smem:$0x0];
	_ =	sdelay $0x2  }
0xb9: {  	s31 =	sshll.u32 s1, $0xD;
	s1 =	sshrl.u32 s1, $0x2  }
0xba: {  	s3 =	sand.u32 $0x4000, s31;
	s1 =	sadd.s32 s1, s30  }
0xbb: {  	s0 =	sor.u32 s3, s0;
	s1 =	sshll.u32 s1, $0x11  }
0xbc: {  	s0 =	sor.u32 s1, s0  }
0xbd: {  	s0 =	sadd.s32 $0x8F2B, s0  }
0xbe: {  	[sflag:s0] =	ssyncadd.remote.s32 $0x1  }
0xbf: {  	_ =	sfence.sel $0xFFFF  }
0xc0: {  	[dreg:$0x0] =	wrdreg $0xFFFFFFFF;
	(pc) =	sbr.abs _section_cstart, $3  }
0xc1: {  	[dreg:$0x1] =	wrdreg $0xFFFFFFFF  }
0xc2: {  	_ =	task.clear_ibuf [dreg:s7], $0x2FFFF;
	_ =	strace $0x9FFFFFFF  }
0xc3: {  	(tm) =	ssettm $0x7FFFFFFF  }
tec
execute0_lowered:
.L_overlay_start_1:
0x0: {  	(tag) =	ssettag $0x1  }
0x1: {  	s5 =	rddreg [dreg:$0x0]  }
0x2: {  	s8 =	rddreg [dreg:$0x1]  }
0x3: {  	s2 =	rddreg [dreg:$0x2]  }
0x4: {  	s0 =	rddreg [dreg:$0x3]  }
0x5: {  	s1 =	stileid.u32;
	s4 =	srdreg.scid  }
0x6: {  	s3 =	simm.s32 $0x0;
	s16 =	simm.s32 $0x0;
	s9 =	smul.u32 $0xA00, s1  }
0x7: {  	s6 =	smul.u32 $0x13C00, s1;
	s7 =	sand.u32 $0x1, s4;
	[smem:$0x7FF] =	sst s3  }
0x8: {  	s4 =	sadd.s32 $0x16000, s5;
	s14 =	smul.u32 $0x4F000, s1;
	s30 =	sshll.u32 s1, $0x6  }
0x9: {  	s10 =	smul.u32 $0x13C000, s7;
	_ =	strace $0x8000004A;
	s28 =	ssub.s32 $0x2, s7  }
0xa: {  	s31 =	smul.u32 $0x500, s7;
	s11 =	sadd.s32 s9, s5;
	s12 =	sshrl.u32 s6, $0x3  }
0xb: {  	s13 =	sshrl.u32 s28, $0x1;
	s29 =	sshrl.u32 s14, $0x2;
	s9 =	sadd.s32 s9, s8  }
0xc: {  	s6 =	sadd.s32 s6, s10;
	s12 =	sadd.s32 s12, s5;
	s10 =	ssub.s32 s28, s13  }
0xd: {  	s14 =	sadd.s32 s29, s2;
	s11 =	sadd.s32 s31, s11;
	s9 =	sadd.s32 s31, s9  }
0xe: {  	s13 =	simm.s32 $0x80;
	s6 =	sshrl.u32 s6, $0x3;
	s8 =	smax.u32 s10, $0x1  }
0xf: {  	s10 =	sadd.s32 $0xC000, s11;
	s11 =	sshrl.u32 s14, $0x3;
	s14 =	simm.s32 $0x100  }
0x10: {  	s15 =	sadd.s32 s6, s5;
	s5 =	sadd.s32 $0x3D800, s12;
	s6 =	sor.u32 $0x1C02, s30  }
0x11: {  	s12 =	simm.s32 $0x2;
	s7 =	sadd.s32 $0x65000, s15;
	s15 =	simm.s32 $0x1  }
.LBB2_1:
0x12: {  	[spmem:s11], [sflag:s6] =	dma.local [hbm:s5], $0x2780  }
0x13: {  	_ =	swait.ge [sflag:s12], $0x2780  }
0x14: {  	[sflag:s12] =	ssyncset.done $0x0  }
0x15: {  	[sflag:s12] =	ssyncadd.s32 $0xFFFFD880  }
0x16: {  	s17 =	sadd.s32 $0x0, s10;
	[bflag:$0x0] =	sbarrier.arrive $0xFFFF  }
0x17: {  	[tilespmem:s3], [sflag:$0x2] =	stream.linear.gather [hbm4b:s17+s3], $0x80, $0x38;
	[tilespmem:$0x17D00] =	vst v63  }
0x18: {  	_ =	swait.ge [sflag:s12], $0x80  }
0x19: {  	[sflag:s12] =	ssyncset.done $0x0  }
0x1a: {  	s31 =	sadd.s32 $0x0, s9;
	[sflag:s12] =	ssyncadd.s32 $0xFFFFFF80  }
0x1b: {  	[tilespmem:s13], [sflag:$0x2] =	stream.linear.gather [hbm4b:s31+s3], $0x80, $0x38;
	[tilespmem:$0x17D00] =	vst v63  }
0x1c: {  	_ =	swait.ge [sflag:s12], $0x80  }
0x1d: {  	[sflag:s12] =	ssyncset.done $0x0  }
0x1e: {  	[sflag:s12] =	ssyncadd.s32 $0xFFFFFF80  }
0x1f: {  	[tilespmem:s14], [sflag:$0x1] =	stream.indirect.gather [hbm4b:s4+s13], $0x80, s3, s13, $0xb8;
	[tilespmem:$0x17D00] =	vst v63  }
0x20: {  	_ =	swait.ge [sflag:s15], $0x4000  }
0x21: {  	[sflag:s15] =	ssyncset.done $0x0  }
0x22: {  	[sflag:s15] =	ssyncadd.s32 $0xFFFFC000  }
0x23: {  	[spmem:s2] =	stream.indirect.scatter.add.f32 [tilespmem:s14], [sflag:$0x2], $0x80, s13, s13, $0xb8;
	[tilespmem:$0x17D00] =	vst v63  }
0x24: {  	_ =	swait.ge [sflag:s12], $0x4000  }
0x25: {  	s18 =	simm.s32 $0x20;
	s17 =	simm.s32 $0x10;
	[sflag:s12] =	ssyncset.done $0x0  }
.LBB2_2:
0x26: {  	s19 =	sadd.s32 s17, s10  }
0x27: {  	[sflag:s12] =	ssyncadd.s32 $0xFFFFC000;
	s20 =	smov.u32 s18;
	s21 =	sadd.s32 $0x10, s18  }
0x28: {  	[tilespmem:s3], [sflag:$0x2] =	stream.linear.gather [hbm4b:s19+s3], $0x80, $0x38;
	[tilespmem:$0x17D00] =	vst v63  }
0x29: {  	p0 =	sne.s32 s18, $0x4F0;
	_ =	swait.ge [sflag:s12], $0x80  }
0x2a: {  	[sflag:s12] =	ssyncset.done $0x0  }
0x2b: {  	s18 =	sadd.s32 s17, s9;
	s17 =	smov.u32 s20;
	[sflag:s12] =	ssyncadd.s32 $0xFFFFFF80  }
0x2c: {  	[tilespmem:s13], [sflag:$0x2] =	stream.linear.gather [hbm4b:s18+s3], $0x80, $0x38;
	[tilespmem:$0x17D00] =	vst v63  }
0x2d: {  	_ =	swait.ge [sflag:s12], $0x80  }
0x2e: {  	[sflag:s12] =	ssyncset.done $0x0  }
0x2f: {  	[sflag:s12] =	ssyncadd.s32 $0xFFFFFF80  }
0x30: {  	[tilespmem:s14], [sflag:$0x1] =	stream.indirect.gather [hbm4b:s4+s13], $0x80, s3, s13, $0xb8;
	[tilespmem:$0x17D00] =	vst v63  }
0x31: {  	_ =	swait.ge [sflag:s15], $0x4000  }
.Ltmp0:
0x32: {  	[sflag:s15] =	ssyncset.done $0x0;
	(pc) =	sbr.rel @p0 .LBB2_2-.Ltmp0, $4  }
0x33: {  	[sflag:s15] =	ssyncadd.s32 $0xFFFFC000  }
0x34: {  	[spmem:s2] =	stream.indirect.scatter.add.f32 [tilespmem:s14], [sflag:$0x2], $0x80, s13, s13, $0xb8;
	[tilespmem:$0x17D00] =	vst v63  }
0x35: {  	_ =	swait.ge [sflag:s12], $0x4000  }
0x36: {  	s18 =	smov.u32 s21;
	[sflag:s12] =	ssyncset.done $0x0  }
0x37: {  	s18 =	sadd.s32 s17, s10;
	[sflag:s12] =	ssyncadd.s32 $0xFFFFC000  }
0x38: {  	[tilespmem:s3], [sflag:$0x2] =	stream.linear.gather [hbm4b:s18+s3], $0x80, $0x38;
	[tilespmem:$0x17D00] =	vst v63  }
0x39: {  	_ =	swait.ge [sflag:s12], $0x80  }
0x3a: {  	[sflag:s12] =	ssyncset.done $0x0  }
0x3b: {  	s31 =	sadd.s32 s17, s9;
	[sflag:s12] =	ssyncadd.s32 $0xFFFFFF80  }
0x3c: {  	[tilespmem:s13], [sflag:$0x2] =	stream.linear.gather [hbm4b:s31+s3], $0x80, $0x38;
	[tilespmem:$0x17D00] =	vst v63  }
0x3d: {  	_ =	swait.ge [sflag:s12], $0x80  }
0x3e: {  	[sflag:s12] =	ssyncset.done $0x0  }
0x3f: {  	[sflag:s12] =	ssyncadd.s32 $0xFFFFFF80  }
0x40: {  	[tilespmem:s14], [sflag:$0x1] =	stream.indirect.gather [hbm4b:s4+s13], $0x80, s3, s13, $0xb8;
	[tilespmem:$0x17D00] =	vst v63  }
0x41: {  	_ =	swait.ge [sflag:s15], $0x4000  }
0x42: {  	[sflag:s15] =	ssyncset.done $0x0  }
0x43: {  	[sflag:s15] =	ssyncadd.s32 $0xFFFFC000  }
0x44: {  	[spmem:s2] =	stream.indirect.scatter.add.f32 [tilespmem:s14], [sflag:$0x2], $0x80, s13, s13, $0xb8;
	[tilespmem:$0x17D00] =	vst v63  }
0x45: {  	_ =	swait.ge [sflag:s12], $0x4000  }
0x46: {  	s16 =	sadd.s32 $0x1, s16;
	[sflag:s12] =	ssyncset.done $0x0  }
0x47: {  	p0 =	sne.s32 s16, s8;
	[sflag:s12] =	ssyncadd.s32 $0xFFFFC000  }
.Ltmp1:
0x48: {  	[bflag:$0x0] =	sbarrier.arrive $0xFFFF;
	(pc) =	sbr.rel @p0 .LBB2_1-.Ltmp1, $4  }
0x49: {  	[hbm:s7], [sflag:s6] =	dma.local [spmem:s11], $0x2780  }
0x4a: {  	_ =	swait.ge [sflag:s12], $0x2780  }
0x4b: {  	[sflag:s12] =	ssyncset.done $0x0  }
0x4c: {  	[sflag:s12] =	ssyncadd.s32 $0xFFFFD880  }
0x4d: {  	_ =	sfence.sel $0x180000  }
0x4e: {  	[bflag:$0x0] =	sbarrier.arrive $0xFFFF  }
0x4f: {  	p0 =	sne.s32 s1, $0x0;
	_ =	strace $0x9000004A  }
0x50: {  	s0 =	sadd.s32 @!p0 $0x100000, s0;
	[bflag:$0x2] =	sbarrier.arrive $0xFFFF  }
0x51: {  	[sflag:s0] =	ssyncadd.tile.s32 @!p0 $0x1;
	_ =	shalt  }
.Lfunc_end2:
_tile_overlayer_lowered:
.L_overlay_start_2:
0x52: {  	(tag) =	ssettag $0x2  }
0x53: {  	s0 =	rddreg [dreg:$0x0];
	s2 =	stileid.u32  }
0x54: {  	s1 =	rddreg [dreg:$0x1];
	p0 =	sne.s32 s2, $0x0  }
0x55: {  	s3 =	rddreg [dreg:$0x2];
	[bflag:$0x3] =	sbarrier.arrive $0xFFFF;
	s2 =	simm.s32 @!p0 $0x1C02  }
0x56: {  	[timem:s3], [sflag:s2] =	dma.local @!p0 [hbm:s0], s1  }
0x57: {  	s0 =	simm.s32 @!p0 $0x2  }
0x58: {  	_ =	swait.ge @!p0 [sflag:s0], s1  }
0x59: {  	s1 =	ssub.s32 @!p0 $0x0, s1;
	[sflag:s0] =	ssyncset.done @!p0 $0x0  }
0x5a: {  	[sflag:s0] =	ssyncadd.s32 @!p0 s1  }
0x5b: {  	[bflag:$0x3] =	sbarrier.arrive $0xFFFF  }
0x5c: {  	_ =	shalt  }

// kernel: kernel.14.cloned.1.call-start
scs
__scs_entry_jumppad:
0x0: {  	(pc) =	sbr.rel $0x88, $3  }
0x1: {  	(tag) =	ssettag $0x0;
	lr =	simm.s32 $0x1  }
0x2: {  	[smem:$0x3F9B] =	sst lr;
	_ =	strace $0xD0000000  }
0x3: {  	_ = 	snop  }
0x4: {  	_ = 	snop  }
0x5: {  	_ = 	snop  }
0x6: {  	_ = 	snop  }
0x7: {  	_ = 	snop  }
__scs_overlays_trampoline_lowered:
0x8: {  	[smem:$0x3FAA] =	sst s0  }
0x9: {  	[smem:$0x3FAB] =	sst s1  }
0xa: {  	[smem:$0x3FAC] =	sst s2  }
0xb: {  	[smem:$0x3FAD] =	sst s3  }
0xc: {  	[smem:$0x3FAE] =	sst s4  }
0xd: {  	[smem:$0x3FAF] =	sst s5  }
0xe: {  	[smem:$0x3FB0] =	sst s6  }
0xf: {  	[smem:$0x3FB1] =	sst s7  }
0x10: {  	[smem:$0x3FB2] =	sst s8  }
0x11: {  	[smem:$0x3FB3] =	sst s9;
	s0 =	simm.s32 @!p0 $0x0  }
0x12: {  	s1 =	sld [smem:$0x3F99];
	s0 =	simm.s32 @p0 $0x1  }
0x13: {  	[smem:$0x3FB4] =	sst s0;
	s0 =	simm.s32 @!p1 $0x0  }
0x14: {  	s2 =	sld [smem:$0x3F98];
	s0 =	simm.s32 @p1 $0x1  }
0x15: {  	[smem:$0x3FB5] =	sst s0;
	s0 =	simm.s32 @!p2 $0x0  }
0x16: {  	s3 =	sld [smem:$0x3FDB];
	s0 =	simm.s32 @p2 $0x1  }
0x17: {  	s4 =	simm.s32 $0x1BF5;
	[smem:$0x3FB7] =	sst s0  }
0x18: {  	s0 =	sld [smem:$0x3F9A];
	_ =	swait.ge [sflag:s4], $0x0  }
0x19: {  	s7 =	sld [smem:$0x3F9B]  }
0x1a: {  	s8 =	sadd.s32 $0xFFFFE003, lr  }
0x1b: {  	s9 =	sadd.s32 $0xFFFFFEF7, lr;
	s5 =	simm.s32 $0xFFFFFFFF;
	p2 =	slt.u32 s8, $0xFFFFF086  }
0x1c: {  	p1 =	slt.u32 s9, $0xF7A;
	s5 =	simm.s32 @!p2 $0x0  }
0x1d: {  	s5 =	simm.s32 @p1 $0x1;
	p0 =	seq.s32 s7, s2  }
0x1e: {  	s7 =	smul.u32 @!p0 $0xF7A, s2;
	p2 =	seq.s32 @!p0 s5, $0x0  }
0x1f: {  	s9 =	smul.u32 $0xF7A, s1;
	s8 =	simm.s32 @!p0 $0x1BF5;
	p2 =	por !p2, p0  }
0x20: {  	[sflag:s8] =	ssyncset.s32 @!p0 $0xFFFFF086;
	s6 =	sadd.s32 @!p0 s3, s7;
	s7 =	simm.s32 @!p0 $0x108  }
0x21: {  	s3 =	sadd.s32 s3, s9;
	s6 =	sadd.s32 @!p0 $0x88, s6;
	s7 =	simm.s32 @p2 $0x1082  }
0x22: {  	[simem:s7], [sflag:s8] =	dma.local @!p0 [hbm:s6], $0xF7A  }
0x23: {  	s9 =	sor.u32 $0xD0000000, s2;
	s6 =	simm.s32 $0x108;
	_ =	swait.ge @!p0 [sflag:s8], $0x0  }
0x24: {  	s3 =	sadd.s32 $0x88, s3;
	s6 =	simm.s32 @!p1 $0x1082;
	[sflag:s4] =	ssyncset.s32 $0xFFFFF086  }
0x25: {  	[simem:s6], [sflag:s4] =	dma.local [hbm:s3], $0xF7A  }
0x26: {  	[smem:$0x3F9B] =	sst s1;
	(tag) =	ssettag s2;
	_ =	strace s9  }
0x27: {  	s1 =	sld [smem:$0x3FAB]  }
0x28: {  	s2 =	sld [smem:$0x3FAC]  }
0x29: {  	s4 =	sld [smem:$0x3FAE]  }
0x2a: {  	p0 =	seq.s32 s5, $0x0;
	s5 =	sld [smem:$0x3FAF]  }
0x2b: {  	s6 =	sld [smem:$0x3FB0]  }
0x2c: {  	s7 =	sld [smem:$0x3FB1]  }
0x2d: {  	s3 =	simm.s32 $0x108;
	s8 =	sld [smem:$0x3FB2]  }
0x2e: {  	s3 =	simm.s32 @!p0 $0x1082;
	s9 =	sld [smem:$0x3FB3]  }
0x2f: {  	lr =	sadd.s32 s0, s3;
	s0 =	sld [smem:$0x3FAA]  }
0x30: {  	s3 =	sld [smem:$0x3FAD]  }
0x31: {  	[smem:$0x3FB6] =	sst s10  }
0x32: {  	s10 =	sld [smem:$0x3FB4];
	_ =	sdelay $0x3  }
0x33: {  	p0 =	seq.s32 s10, $0x1;
	s10 =	sld [smem:$0x3FB6];
	_ =	sdelay $0x3  }
0x34: {  	[smem:$0x3FB6] =	sst s10  }
0x35: {  	s10 =	sld [smem:$0x3FB5];
	_ =	sdelay $0x3  }
0x36: {  	p1 =	seq.s32 s10, $0x1;
	s10 =	sld [smem:$0x3FB6];
	_ =	sdelay $0x3  }
0x37: {  	[smem:$0x3FB6] =	sst s10  }
0x38: {  	s10 =	sld [smem:$0x3FB7]  }
0x39: {  	_ = 	snop;
	(pc) =	sbr.ind lr, $3  }
0x3a: {  	_ = 	snop  }
0x3b: {  	_ = 	snop  }
0x3c: {  	p2 =	seq.s32 s10, $0x1;
	s10 =	sld [smem:$0x3FB6]  }
0x3d: {  	_ =	shalt  }
0x3e: {  	_ =	shalt  }
0x3f: {  	_ =	shalt  }
0x40: {  	_ =	shalt  }
0x41: {  	_ =	shalt  }
0x42: {  	_ =	shalt  }
0x43: {  	_ =	shalt  }
0x44: {  	_ =	shalt  }
0x45: {  	_ =	shalt  }
0x46: {  	_ =	shalt  }
0x47: {  	_ =	shalt  }
0x48: {  	_ =	shalt  }
0x49: {  	_ =	shalt  }
0x4a: {  	_ =	shalt  }
0x4b: {  	_ =	shalt  }
0x4c: {  	_ =	shalt  }
0x4d: {  	_ =	shalt  }
0x4e: {  	_ =	shalt  }
0x4f: {  	_ =	shalt  }
0x50: {  	_ =	shalt  }
0x51: {  	_ =	shalt  }
0x52: {  	_ =	shalt  }
0x53: {  	_ =	shalt  }
0x54: {  	_ =	shalt  }
0x55: {  	_ =	shalt  }
0x56: {  	_ =	shalt  }
0x57: {  	_ =	shalt  }
0x58: {  	_ =	shalt  }
0x59: {  	_ =	shalt  }
0x5a: {  	_ =	shalt  }
0x5b: {  	_ =	shalt  }
0x5c: {  	_ =	shalt  }
0x5d: {  	_ =	shalt  }
0x5e: {  	_ =	shalt  }
0x5f: {  	_ =	shalt  }
0x60: {  	_ =	shalt  }
0x61: {  	_ =	shalt  }
0x62: {  	_ =	shalt  }
0x63: {  	_ =	shalt  }
0x64: {  	_ =	shalt  }
0x65: {  	_ =	shalt  }
0x66: {  	_ =	shalt  }
0x67: {  	_ =	shalt  }
0x68: {  	_ =	shalt  }
0x69: {  	_ =	shalt  }
0x6a: {  	_ =	shalt  }
0x6b: {  	_ =	shalt  }
0x6c: {  	_ =	shalt  }
0x6d: {  	_ =	shalt  }
0x6e: {  	_ =	shalt  }
0x6f: {  	_ =	shalt  }
0x70: {  	_ =	shalt  }
0x71: {  	_ =	shalt  }
0x72: {  	_ =	shalt  }
0x73: {  	_ =	shalt  }
0x74: {  	_ =	shalt  }
0x75: {  	_ =	shalt  }
0x76: {  	_ =	shalt  }
0x77: {  	_ =	shalt  }
0x78: {  	_ =	shalt  }
0x79: {  	_ =	shalt  }
0x7a: {  	_ =	shalt  }
0x7b: {  	_ =	shalt  }
0x7c: {  	_ =	shalt  }
0x7d: {  	_ =	shalt  }
0x7e: {  	_ =	shalt  }
0x7f: {  	_ =	shalt  }
0x80: {  	_ =	shalt  }
0x81: {  	_ =	shalt  }
0x82: {  	_ =	shalt  }
0x83: {  	_ =	shalt  }
0x84: {  	_ =	shalt  }
0x85: {  	_ =	shalt  }
0x86: {  	_ =	shalt  }
0x87: {  	_ =	shalt  }
.Lfunc_end0:
.L_simem_size_0:
called_computation.2_lowered:
.L_overlay_start_0:
0x88: {  	s2 =	sld [smem:$0x3FD9]  }
0x89: {  	s3 =	sld [smem:$0x3FFE];
	_ =	sdelay $0x1  }
0x8a: {  	s1 =	srdreg.scid  }
0x8b: {  	s0 =	sand.u32 $0x1, s1  }
0x8c: {  	s17 =	sshll.u32 s0, $0xA;
	s2 =	sadd.s32 s3, s2  }
0x8d: {  	s2 =	sadd.s32 s2, s17  }
0x8e: {  	[smem:$0x3FC2] =	sst s2  }
0x8f: {  	_ = 	snop  }
0x90: {  	s2 =	sld [smem:$0x3FD0];
	(tm) =	ssettm $0x1  }
0x91: {  	s18 =	sld [smem:$0x3FFB];
	_ =	sdelay $0x3  }
0x92: {  	_ =	strace s18  }
0x93: {  	s3 =	sld [smem:$0x3FFC];
	_ =	sdelay $0x3  }
0x94: {  	_ =	strace s3  }
0x95: {  	s3 =	sld [smem:$0x3FFD];
	_ =	sdelay $0x3  }
0x96: {  	_ =	strace s3  }
0x97: {  	_ =	strace $0x8FFFFFFF  }
0x98: {  	s19 =	sld [smem:$0x3FDB];
	_ =	sdelay $0x1  }
0x99: {  	s4 =	simm.s32 $_scs_section_size  }
0x9a: {  	s5 =	simm.s32 $_size__tile_overlayer_lowered;
	s6 =	simm.s32 $_tile_overlayer_lowered  }
0x9b: {  	s22 =	simm.s32 $0x1BFF;
	s21 =	sshll.u32 s6, $0x1;
	s3 =	sadd.s32 s4, s19  }
0x9c: {  	s7 =	simm.s32 $0x0;
	s20 =	sshll.u32 s5, $0x1;
	s5 =	sadd.s32 s21, s3  }
0x9d: {  	[timem:s7], [sflag:s22] =	dma.local [hbm:s5], s20  }
0x9e: {  	_ =	swait.ge [sflag:s22], s20  }
0x9f: {  	s4 =	ssub.s32 $0x0, s20;
	[sflag:s22] =	ssyncset.done $0x0  }
0xa0: {  	[sflag:s22] =	ssyncadd.s32 s4;
	_ =	sdelay $0x1  }
0xa1: {  	s23 =	simm.s32 $0x1B8B  }
0xa2: {  	_ =	swait.ge [sflag:s23], $0x1  }
0xa3: {  	[sflag:s23] =	ssyncset.done $0x0  }
0xa4: {  	s25 =	simm.s32 $0x1B8E;
	s24 =	sld [smem:$0x3FFE];
	[sflag:s23] =	ssyncadd.s32 $0xFFFFFFFF  }
0xa5: {  	s26 =	simm.s32 $execute0_lowered;
	[smem:$0x3FD2] =	sst s25  }
0xa6: {  	s5 =	sshll.u32 s26, $0x1;
	_ =	strace $0x8000004C;
	[dreg:$0x1] =	wrdreg $0xFFFFFFFF  }
0xa7: {  	s28 =	simm.s32 $_size_execute0_lowered;
	s3 =	sadd.s32 s3, s5;
	[dreg:$0x0] =	wrdreg $0x0  }
0xa8: {  	s5 =	sshll.u32 s28, $0x1;
	[dreg:$0x2] =	wrdreg s3  }
0xa9: {  	[dreg:$0x3] =	wrdreg s5  }
0xaa: {  	[dreg:$0x4] =	wrdreg $0xC0  }
0xab: {  	_ =	task [dreg:s7], $0x5FFFF  }
0xac: {  	[dreg:$0x1] =	wrdreg $0xFFFFFFFF  }
0xad: {  	[dreg:$0x0] =	wrdreg $0x60  }
0xae: {  	[dreg:$0x2] =	wrdreg s24  }
0xaf: {  	[dreg:$0x3] =	wrdreg s2  }
0xb0: {  	[dreg:$0x4] =	wrdreg $0x41000  }
0xb1: {  	[dreg:$0x5] =	wrdreg $0x9  }
0xb2: {  	_ =	task.clear_ibuf [dreg:s7], $0x6FFFF;
	_ =	strace $0x9000004C  }
0xb3: {  	s29 =	simm.s32 $0x9;
	_ =	strace $0x8000004E  }
0xb4: {  	_ =	swait.ge [sflag:s29], $0x1  }
0xb5: {  	[sflag:s29] =	ssyncadd.s32 $0xFFFFFFFF  }
0xb6: {  	_ =	strace $0x9000004E  }
0xb7: {  	_ =	sfence  }
0xb8: {  	s30 =	sld [smem:$0x0];
	_ =	sdelay $0x2  }
0xb9: {  	s31 =	sshll.u32 s1, $0xD;
	s1 =	sshrl.u32 s1, $0x2  }
0xba: {  	s3 =	sand.u32 $0x4000, s31;
	s1 =	sadd.s32 s1, s30  }
0xbb: {  	s0 =	sor.u32 s3, s0;
	s1 =	sshll.u32 s1, $0x11  }
0xbc: {  	s0 =	sor.u32 s1, s0  }
0xbd: {  	s0 =	sadd.s32 $0x8F2B, s0  }
0xbe: {  	[sflag:s0] =	ssyncadd.remote.s32 $0x1  }
0xbf: {  	_ =	sfence.sel $0xFFFF  }
0xc0: {  	[dreg:$0x0] =	wrdreg $0xFFFFFFFF;
	(pc) =	sbr.abs _section_cstart, $3  }
0xc1: {  	[dreg:$0x1] =	wrdreg $0xFFFFFFFF  }
0xc2: {  	_ =	task.clear_ibuf [dreg:s7], $0x2FFFF;
	_ =	strace $0x9FFFFFFF  }
0xc3: {  	(tm) =	ssettm $0x7FFFFFFF  }
tec
execute0_lowered:
.L_overlay_start_1:
0x0: {  	(tag) =	ssettag $0x1  }
0x1: {  	s5 =	rddreg [dreg:$0x0]  }
0x2: {  	s8 =	rddreg [dreg:$0x1]  }
0x3: {  	s2 =	rddreg [dreg:$0x2]  }
0x4: {  	s0 =	rddreg [dreg:$0x3]  }
0x5: {  	s1 =	stileid.u32;
	s4 =	srdreg.scid  }
0x6: {  	s3 =	simm.s32 $0x0;
	s16 =	simm.s32 $0x0;
	s9 =	smul.u32 $0xA00, s1  }
0x7: {  	s6 =	smul.u32 $0x13C00, s1;
	s7 =	sand.u32 $0x1, s4;
	[smem:$0x7FF] =	sst s3  }
0x8: {  	s4 =	sadd.s32 $0x16000, s5;
	s14 =	smul.u32 $0x4F000, s1;
	s30 =	sshll.u32 s1, $0x6  }
0x9: {  	s10 =	smul.u32 $0x13C000, s7;
	_ =	strace $0x8000004D;
	s28 =	ssub.s32 $0x2, s7  }
0xa: {  	s31 =	smul.u32 $0x500, s7;
	s11 =	sadd.s32 s9, s5;
	s12 =	sshrl.u32 s6, $0x3  }
0xb: {  	s13 =	sshrl.u32 s28, $0x1;
	s29 =	sshrl.u32 s14, $0x2;
	s9 =	sadd.s32 s9, s8  }
0xc: {  	s6 =	sadd.s32 s6, s10;
	s12 =	sadd.s32 s12, s5;
	s10 =	ssub.s32 s28, s13  }
0xd: {  	s14 =	sadd.s32 s29, s2;
	s11 =	sadd.s32 s31, s11;
	s9 =	sadd.s32 s31, s9  }
0xe: {  	s13 =	simm.s32 $0x80;
	s6 =	sshrl.u32 s6, $0x3;
	s8 =	smax.u32 s10, $0x1  }
0xf: {  	s10 =	sadd.s32 $0xC000, s11;
	s11 =	sshrl.u32 s14, $0x3;
	s14 =	simm.s32 $0x100  }
0x10: {  	s15 =	sadd.s32 s6, s5;
	s5 =	sadd.s32 $0x3D800, s12;
	s6 =	sor.u32 $0x1C02, s30  }
0x11: {  	s12 =	simm.s32 $0x2;
	s7 =	sadd.s32 $0x65000, s15;
	s15 =	simm.s32 $0x1  }
.LBB2_1:
0x12: {  	[spmem:s11], [sflag:s6] =	dma.local [hbm:s5], $0x2780  }
0x13: {  	_ =	swait.ge [sflag:s12], $0x2780  }
0x14: {  	[sflag:s12] =	ssyncset.done $0x0  }
0x15: {  	[sflag:s12] =	ssyncadd.s32 $0xFFFFD880  }
0x16: {  	s17 =	sadd.s32 $0x0, s10;
	[bflag:$0x0] =	sbarrier.arrive $0xFFFF  }
0x17: {  	[tilespmem:s3], [sflag:$0x2] =	stream.linear.gather [hbm4b:s17+s3], $0x80, $0x38;
	[tilespmem:$0x17D00] =	vst v63  }
0x18: {  	_ =	swait.ge [sflag:s12], $0x80  }
0x19: {  	[sflag:s12] =	ssyncset.done $0x0  }
0x1a: {  	s31 =	sadd.s32 $0x0, s9;
	[sflag:s12] =	ssyncadd.s32 $0xFFFFFF80  }
0x1b: {  	[tilespmem:s13], [sflag:$0x2] =	stream.linear.gather [hbm4b:s31+s3], $0x80, $0x38;
	[tilespmem:$0x17D00] =	vst v63  }
0x1c: {  	_ =	swait.ge [sflag:s12], $0x80  }
0x1d: {  	[sflag:s12] =	ssyncset.done $0x0  }
0x1e: {  	[sflag:s12] =	ssyncadd.s32 $0xFFFFFF80  }
0x1f: {  	[tilespmem:s14], [sflag:$0x1] =	stream.indirect.gather [hbm4b:s4+s13], $0x80, s3, s13, $0xb8;
	[tilespmem:$0x17D00] =	vst v63  }
0x20: {  	_ =	swait.ge [sflag:s15], $0x4000  }
0x21: {  	[sflag:s15] =	ssyncset.done $0x0  }
0x22: {  	[sflag:s15] =	ssyncadd.s32 $0xFFFFC000  }
0x23: {  	[spmem:s2] =	stream.indirect.scatter.add.f32 [tilespmem:s14], [sflag:$0x2], $0x80, s13, s13, $0xb8;
	[tilespmem:$0x17D00] =	vst v63  }
0x24: {  	_ =	swait.ge [sflag:s12], $0x4000  }
0x25: {  	s18 =	simm.s32 $0x20;
	s17 =	simm.s32 $0x10;
	[sflag:s12] =	ssyncset.done $0x0  }
.LBB2_2:
0x26: {  	s19 =	sadd.s32 s17, s10  }
0x27: {  	[sflag:s12] =	ssyncadd.s32 $0xFFFFC000;
	s20 =	smov.u32 s18;
	s21 =	sadd.s32 $0x10, s18  }
0x28: {  	[tilespmem:s3], [sflag:$0x2] =	stream.linear.gather [hbm4b:s19+s3], $0x80, $0x38;
	[tilespmem:$0x17D00] =	vst v63  }
0x29: {  	p0 =	sne.s32 s18, $0x4F0;
	_ =	swait.ge [sflag:s12], $0x80  }
0x2a: {  	[sflag:s12] =	ssyncset.done $0x0  }
0x2b: {  	s18 =	sadd.s32 s17, s9;
	s17 =	smov.u32 s20;
	[sflag:s12] =	ssyncadd.s32 $0xFFFFFF80  }
0x2c: {  	[tilespmem:s13], [sflag:$0x2] =	stream.linear.gather [hbm4b:s18+s3], $0x80, $0x38;
	[tilespmem:$0x17D00] =	vst v63  }
0x2d: {  	_ =	swait.ge [sflag:s12], $0x80  }
0x2e: {  	[sflag:s12] =	ssyncset.done $0x0  }
0x2f: {  	[sflag:s12] =	ssyncadd.s32 $0xFFFFFF80  }
0x30: {  	[tilespmem:s14], [sflag:$0x1] =	stream.indirect.gather [hbm4b:s4+s13], $0x80, s3, s13, $0xb8;
	[tilespmem:$0x17D00] =	vst v63  }
0x31: {  	_ =	swait.ge [sflag:s15], $0x4000  }
.Ltmp0:
0x32: {  	[sflag:s15] =	ssyncset.done $0x0;
	(pc) =	sbr.rel @p0 .LBB2_2-.Ltmp0, $4  }
0x33: {  	[sflag:s15] =	ssyncadd.s32 $0xFFFFC000  }
0x34: {  	[spmem:s2] =	stream.indirect.scatter.add.f32 [tilespmem:s14], [sflag:$0x2], $0x80, s13, s13, $0xb8;
	[tilespmem:$0x17D00] =	vst v63  }
0x35: {  	_ =	swait.ge [sflag:s12], $0x4000  }
0x36: {  	s18 =	smov.u32 s21;
	[sflag:s12] =	ssyncset.done $0x0  }
0x37: {  	s18 =	sadd.s32 s17, s10;
	[sflag:s12] =	ssyncadd.s32 $0xFFFFC000  }
0x38: {  	[tilespmem:s3], [sflag:$0x2] =	stream.linear.gather [hbm4b:s18+s3], $0x80, $0x38;
	[tilespmem:$0x17D00] =	vst v63  }
0x39: {  	_ =	swait.ge [sflag:s12], $0x80  }
0x3a: {  	[sflag:s12] =	ssyncset.done $0x0  }
0x3b: {  	s31 =	sadd.s32 s17, s9;
	[sflag:s12] =	ssyncadd.s32 $0xFFFFFF80  }
0x3c: {  	[tilespmem:s13], [sflag:$0x2] =	stream.linear.gather [hbm4b:s31+s3], $0x80, $0x38;
	[tilespmem:$0x17D00] =	vst v63  }
0x3d: {  	_ =	swait.ge [sflag:s12], $0x80  }
0x3e: {  	[sflag:s12] =	ssyncset.done $0x0  }
0x3f: {  	[sflag:s12] =	ssyncadd.s32 $0xFFFFFF80  }
0x40: {  	[tilespmem:s14], [sflag:$0x1] =	stream.indirect.gather [hbm4b:s4+s13], $0x80, s3, s13, $0xb8;
	[tilespmem:$0x17D00] =	vst v63  }
0x41: {  	_ =	swait.ge [sflag:s15], $0x4000  }
0x42: {  	[sflag:s15] =	ssyncset.done $0x0  }
0x43: {  	[sflag:s15] =	ssyncadd.s32 $0xFFFFC000  }
0x44: {  	[spmem:s2] =	stream.indirect.scatter.add.f32 [tilespmem:s14], [sflag:$0x2], $0x80, s13, s13, $0xb8;
	[tilespmem:$0x17D00] =	vst v63  }
0x45: {  	_ =	swait.ge [sflag:s12], $0x4000  }
0x46: {  	s16 =	sadd.s32 $0x1, s16;
	[sflag:s12] =	ssyncset.done $0x0  }
0x47: {  	p0 =	sne.s32 s16, s8;
	[sflag:s12] =	ssyncadd.s32 $0xFFFFC000  }
.Ltmp1:
0x48: {  	[bflag:$0x0] =	sbarrier.arrive $0xFFFF;
	(pc) =	sbr.rel @p0 .LBB2_1-.Ltmp1, $4  }
0x49: {  	[hbm:s7], [sflag:s6] =	dma.local [spmem:s11], $0x2780  }
0x4a: {  	_ =	swait.ge [sflag:s12], $0x2780  }
0x4b: {  	[sflag:s12] =	ssyncset.done $0x0  }
0x4c: {  	[sflag:s12] =	ssyncadd.s32 $0xFFFFD880  }
0x4d: {  	_ =	sfence.sel $0x180000  }
0x4e: {  	[bflag:$0x0] =	sbarrier.arrive $0xFFFF  }
0x4f: {  	p0 =	sne.s32 s1, $0x0;
	_ =	strace $0x9000004D  }
0x50: {  	s0 =	sadd.s32 @!p0 $0x100000, s0;
	[bflag:$0x2] =	sbarrier.arrive $0xFFFF  }
0x51: {  	[sflag:s0] =	ssyncadd.tile.s32 @!p0 $0x1;
	_ =	shalt  }
.Lfunc_end2:
_tile_overlayer_lowered:
.L_overlay_start_2:
0x52: {  	(tag) =	ssettag $0x2  }
0x53: {  	s0 =	rddreg [dreg:$0x0];
	s2 =	stileid.u32  }
0x54: {  	s1 =	rddreg [dreg:$0x1];
	p0 =	sne.s32 s2, $0x0  }
0x55: {  	s3 =	rddreg [dreg:$0x2];
	[bflag:$0x3] =	sbarrier.arrive $0xFFFF;
	s2 =	simm.s32 @!p0 $0x1C02  }
0x56: {  	[timem:s3], [sflag:s2] =	dma.local @!p0 [hbm:s0], s1  }
0x57: {  	s0 =	simm.s32 @!p0 $0x2  }
0x58: {  	_ =	swait.ge @!p0 [sflag:s0], s1  }
0x59: {  	s1 =	ssub.s32 @!p0 $0x0, s1;
	[sflag:s0] =	ssyncset.done @!p0 $0x0  }
0x5a: {  	[sflag:s0] =	ssyncadd.s32 @!p0 s1  }
0x5b: {  	[bflag:$0x3] =	sbarrier.arrive $0xFFFF  }
0x5c: {  	_ =	shalt  }

// kernel: kernel.8.cloned.1.call-start
scs
__scs_entry_jumppad:
0x0: {  	(pc) =	sbr.rel $0x88, $3  }
0x1: {  	(tag) =	ssettag $0x0;
	lr =	simm.s32 $0x1  }
0x2: {  	[smem:$0x3F9B] =	sst lr;
	_ =	strace $0xD0000000  }
0x3: {  	_ = 	snop  }
0x4: {  	_ = 	snop  }
0x5: {  	_ = 	snop  }
0x6: {  	_ = 	snop  }
0x7: {  	_ = 	snop  }
__scs_overlays_trampoline_lowered:
0x8: {  	[smem:$0x3FAA] =	sst s0  }
0x9: {  	[smem:$0x3FAB] =	sst s1  }
0xa: {  	[smem:$0x3FAC] =	sst s2  }
0xb: {  	[smem:$0x3FAD] =	sst s3  }
0xc: {  	[smem:$0x3FAE] =	sst s4  }
0xd: {  	[smem:$0x3FAF] =	sst s5  }
0xe: {  	[smem:$0x3FB0] =	sst s6  }
0xf: {  	[smem:$0x3FB1] =	sst s7  }
0x10: {  	[smem:$0x3FB2] =	sst s8  }
0x11: {  	[smem:$0x3FB3] =	sst s9;
	s0 =	simm.s32 @!p0 $0x0  }
0x12: {  	s1 =	sld [smem:$0x3F99];
	s0 =	simm.s32 @p0 $0x1  }
0x13: {  	[smem:$0x3FB4] =	sst s0;
	s0 =	simm.s32 @!p1 $0x0  }
0x14: {  	s2 =	sld [smem:$0x3F98];
	s0 =	simm.s32 @p1 $0x1  }
0x15: {  	[smem:$0x3FB5] =	sst s0;
	s0 =	simm.s32 @!p2 $0x0  }
0x16: {  	s3 =	sld [smem:$0x3FDB];
	s0 =	simm.s32 @p2 $0x1  }
0x17: {  	s4 =	simm.s32 $0x1BF5;
	[smem:$0x3FB7] =	sst s0  }
0x18: {  	s0 =	sld [smem:$0x3F9A];
	_ =	swait.ge [sflag:s4], $0x0  }
0x19: {  	s7 =	sld [smem:$0x3F9B]  }
0x1a: {  	s8 =	sadd.s32 $0xFFFFE003, lr  }
0x1b: {  	s9 =	sadd.s32 $0xFFFFFEF7, lr;
	s5 =	simm.s32 $0xFFFFFFFF;
	p2 =	slt.u32 s8, $0xFFFFF086  }
0x1c: {  	p1 =	slt.u32 s9, $0xF7A;
	s5 =	simm.s32 @!p2 $0x0  }
0x1d: {  	s5 =	simm.s32 @p1 $0x1;
	p0 =	seq.s32 s7, s2  }
0x1e: {  	s7 =	smul.u32 @!p0 $0xF7A, s2;
	p2 =	seq.s32 @!p0 s5, $0x0  }
0x1f: {  	s9 =	smul.u32 $0xF7A, s1;
	s8 =	simm.s32 @!p0 $0x1BF5;
	p2 =	por !p2, p0  }
0x20: {  	[sflag:s8] =	ssyncset.s32 @!p0 $0xFFFFF086;
	s6 =	sadd.s32 @!p0 s3, s7;
	s7 =	simm.s32 @!p0 $0x108  }
0x21: {  	s3 =	sadd.s32 s3, s9;
	s6 =	sadd.s32 @!p0 $0x88, s6;
	s7 =	simm.s32 @p2 $0x1082  }
0x22: {  	[simem:s7], [sflag:s8] =	dma.local @!p0 [hbm:s6], $0xF7A  }
0x23: {  	s9 =	sor.u32 $0xD0000000, s2;
	s6 =	simm.s32 $0x108;
	_ =	swait.ge @!p0 [sflag:s8], $0x0  }
0x24: {  	s3 =	sadd.s32 $0x88, s3;
	s6 =	simm.s32 @!p1 $0x1082;
	[sflag:s4] =	ssyncset.s32 $0xFFFFF086  }
0x25: {  	[simem:s6], [sflag:s4] =	dma.local [hbm:s3], $0xF7A  }
0x26: {  	[smem:$0x3F9B] =	sst s1;
	(tag) =	ssettag s2;
	_ =	strace s9  }
0x27: {  	s1 =	sld [smem:$0x3FAB]  }
0x28: {  	s2 =	sld [smem:$0x3FAC]  }
0x29: {  	s4 =	sld [smem:$0x3FAE]  }
0x2a: {  	p0 =	seq.s32 s5, $0x0;
	s5 =	sld [smem:$0x3FAF]  }
0x2b: {  	s6 =	sld [smem:$0x3FB0]  }
0x2c: {  	s7 =	sld [smem:$0x3FB1]  }
0x2d: {  	s3 =	simm.s32 $0x108;
	s8 =	sld [smem:$0x3FB2]  }
0x2e: {  	s3 =	simm.s32 @!p0 $0x1082;
	s9 =	sld [smem:$0x3FB3]  }
0x2f: {  	lr =	sadd.s32 s0, s3;
	s0 =	sld [smem:$0x3FAA]  }
0x30: {  	s3 =	sld [smem:$0x3FAD]  }
0x31: {  	[smem:$0x3FB6] =	sst s10  }
0x32: {  	s10 =	sld [smem:$0x3FB4];
	_ =	sdelay $0x3  }
0x33: {  	p0 =	seq.s32 s10, $0x1;
	s10 =	sld [smem:$0x3FB6];
	_ =	sdelay $0x3  }
0x34: {  	[smem:$0x3FB6] =	sst s10  }
0x35: {  	s10 =	sld [smem:$0x3FB5];
	_ =	sdelay $0x3  }
0x36: {  	p1 =	seq.s32 s10, $0x1;
	s10 =	sld [smem:$0x3FB6];
	_ =	sdelay $0x3  }
0x37: {  	[smem:$0x3FB6] =	sst s10  }
0x38: {  	s10 =	sld [smem:$0x3FB7]  }
0x39: {  	_ = 	snop;
	(pc) =	sbr.ind lr, $3  }
0x3a: {  	_ = 	snop  }
0x3b: {  	_ = 	snop  }
0x3c: {  	p2 =	seq.s32 s10, $0x1;
	s10 =	sld [smem:$0x3FB6]  }
0x3d: {  	_ =	shalt  }
0x3e: {  	_ =	shalt  }
0x3f: {  	_ =	shalt  }
0x40: {  	_ =	shalt  }
0x41: {  	_ =	shalt  }
0x42: {  	_ =	shalt  }
0x43: {  	_ =	shalt  }
0x44: {  	_ =	shalt  }
0x45: {  	_ =	shalt  }
0x46: {  	_ =	shalt  }
0x47: {  	_ =	shalt  }
0x48: {  	_ =	shalt  }
0x49: {  	_ =	shalt  }
0x4a: {  	_ =	shalt  }
0x4b: {  	_ =	shalt  }
0x4c: {  	_ =	shalt  }
0x4d: {  	_ =	shalt  }
0x4e: {  	_ =	shalt  }
0x4f: {  	_ =	shalt  }
0x50: {  	_ =	shalt  }
0x51: {  	_ =	shalt  }
0x52: {  	_ =	shalt  }
0x53: {  	_ =	shalt  }
0x54: {  	_ =	shalt  }
0x55: {  	_ =	shalt  }
0x56: {  	_ =	shalt  }
0x57: {  	_ =	shalt  }
0x58: {  	_ =	shalt  }
0x59: {  	_ =	shalt  }
0x5a: {  	_ =	shalt  }
0x5b: {  	_ =	shalt  }
0x5c: {  	_ =	shalt  }
0x5d: {  	_ =	shalt  }
0x5e: {  	_ =	shalt  }
0x5f: {  	_ =	shalt  }
0x60: {  	_ =	shalt  }
0x61: {  	_ =	shalt  }
0x62: {  	_ =	shalt  }
0x63: {  	_ =	shalt  }
0x64: {  	_ =	shalt  }
0x65: {  	_ =	shalt  }
0x66: {  	_ =	shalt  }
0x67: {  	_ =	shalt  }
0x68: {  	_ =	shalt  }
0x69: {  	_ =	shalt  }
0x6a: {  	_ =	shalt  }
0x6b: {  	_ =	shalt  }
0x6c: {  	_ =	shalt  }
0x6d: {  	_ =	shalt  }
0x6e: {  	_ =	shalt  }
0x6f: {  	_ =	shalt  }
0x70: {  	_ =	shalt  }
0x71: {  	_ =	shalt  }
0x72: {  	_ =	shalt  }
0x73: {  	_ =	shalt  }
0x74: {  	_ =	shalt  }
0x75: {  	_ =	shalt  }
0x76: {  	_ =	shalt  }
0x77: {  	_ =	shalt  }
0x78: {  	_ =	shalt  }
0x79: {  	_ =	shalt  }
0x7a: {  	_ =	shalt  }
0x7b: {  	_ =	shalt  }
0x7c: {  	_ =	shalt  }
0x7d: {  	_ =	shalt  }
0x7e: {  	_ =	shalt  }
0x7f: {  	_ =	shalt  }
0x80: {  	_ =	shalt  }
0x81: {  	_ =	shalt  }
0x82: {  	_ =	shalt  }
0x83: {  	_ =	shalt  }
0x84: {  	_ =	shalt  }
0x85: {  	_ =	shalt  }
0x86: {  	_ =	shalt  }
0x87: {  	_ =	shalt  }
.Lfunc_end0:
.L_simem_size_0:
called_computation_lowered:
.L_overlay_start_0:
0x88: {  	s2 =	sld [smem:$0x3FD9]  }
0x89: {  	s3 =	sld [smem:$0x3FFE];
	_ =	sdelay $0x1  }
0x8a: {  	s1 =	srdreg.scid  }
0x8b: {  	s0 =	sand.u32 $0x1, s1  }
0x8c: {  	s17 =	sshll.u32 s0, $0xA;
	s2 =	sadd.s32 s3, s2  }
0x8d: {  	s2 =	sadd.s32 s2, s17  }
0x8e: {  	[smem:$0x3FC2] =	sst s2  }
0x8f: {  	_ = 	snop  }
0x90: {  	s2 =	sld [smem:$0x3FD0];
	(tm) =	ssettm $0x1  }
0x91: {  	s18 =	sld [smem:$0x3FFB];
	_ =	sdelay $0x3  }
0x92: {  	_ =	strace s18  }
0x93: {  	s3 =	sld [smem:$0x3FFC];
	_ =	sdelay $0x3  }
0x94: {  	_ =	strace s3  }
0x95: {  	s3 =	sld [smem:$0x3FFD];
	_ =	sdelay $0x3  }
0x96: {  	_ =	strace s3  }
0x97: {  	_ =	strace $0x8FFFFFFF  }
0x98: {  	s19 =	sld [smem:$0x3FDB];
	_ =	sdelay $0x1  }
0x99: {  	s4 =	simm.s32 $_scs_section_size  }
0x9a: {  	s5 =	simm.s32 $_size__tile_overlayer_lowered;
	s6 =	simm.s32 $_tile_overlayer_lowered  }
0x9b: {  	s22 =	simm.s32 $0x1BFF;
	s21 =	sshll.u32 s6, $0x1;
	s3 =	sadd.s32 s4, s19  }
0x9c: {  	s7 =	simm.s32 $0x0;
	s20 =	sshll.u32 s5, $0x1;
	s5 =	sadd.s32 s21, s3  }
0x9d: {  	[timem:s7], [sflag:s22] =	dma.local [hbm:s5], s20  }
0x9e: {  	_ =	swait.ge [sflag:s22], s20  }
0x9f: {  	s4 =	ssub.s32 $0x0, s20;
	[sflag:s22] =	ssyncset.done $0x0  }
0xa0: {  	[sflag:s22] =	ssyncadd.s32 s4;
	_ =	sdelay $0x1  }
0xa1: {  	s23 =	simm.s32 $0x1B8B  }
0xa2: {  	_ =	swait.ge [sflag:s23], $0x1  }
0xa3: {  	[sflag:s23] =	ssyncset.done $0x0  }
0xa4: {  	s25 =	simm.s32 $0x1B8E;
	s24 =	sld [smem:$0x3FFE];
	[sflag:s23] =	ssyncadd.s32 $0xFFFFFFFF  }
0xa5: {  	s26 =	simm.s32 $execute0_lowered;
	[smem:$0x3FD2] =	sst s25  }
0xa6: {  	s5 =	sshll.u32 s26, $0x1;
	_ =	strace $0x80000046;
	[dreg:$0x1] =	wrdreg $0xFFFFFFFF  }
0xa7: {  	s28 =	simm.s32 $_size_execute0_lowered;
	s3 =	sadd.s32 s3, s5;
	[dreg:$0x0] =	wrdreg $0x0  }
0xa8: {  	s5 =	sshll.u32 s28, $0x1;
	[dreg:$0x2] =	wrdreg s3  }
0xa9: {  	[dreg:$0x3] =	wrdreg s5  }
0xaa: {  	[dreg:$0x4] =	wrdreg $0xC0  }
0xab: {  	_ =	task [dreg:s7], $0x5FFFF  }
0xac: {  	[dreg:$0x1] =	wrdreg $0xFFFFFFFF  }
0xad: {  	[dreg:$0x0] =	wrdreg $0x60  }
0xae: {  	[dreg:$0x2] =	wrdreg s2  }
0xaf: {  	[dreg:$0x3] =	wrdreg s24  }
0xb0: {  	[dreg:$0x4] =	wrdreg $0x9  }
0xb1: {  	_ =	task.clear_ibuf [dreg:s7], $0x5FFFF;
	_ =	strace $0x90000046  }
0xb2: {  	s29 =	simm.s32 $0x9;
	_ =	strace $0x80000048  }
0xb3: {  	_ =	swait.ge [sflag:s29], $0x1  }
0xb4: {  	[sflag:s29] =	ssyncadd.s32 $0xFFFFFFFF  }
0xb5: {  	_ =	strace $0x90000048  }
0xb6: {  	_ =	sfence  }
0xb7: {  	s30 =	sld [smem:$0x0];
	_ =	sdelay $0x2  }
0xb8: {  	s31 =	sshll.u32 s1, $0xD;
	s1 =	sshrl.u32 s1, $0x2  }
0xb9: {  	s3 =	sand.u32 $0x4000, s31;
	s1 =	sadd.s32 s1, s30  }
0xba: {  	s0 =	sor.u32 s3, s0;
	s1 =	sshll.u32 s1, $0x11  }
0xbb: {  	s0 =	sor.u32 s1, s0  }
0xbc: {  	s0 =	sadd.s32 $0x8F2B, s0  }
0xbd: {  	[sflag:s0] =	ssyncadd.remote.s32 $0x1  }
0xbe: {  	_ =	sfence.sel $0xFFFF  }
0xbf: {  	[dreg:$0x0] =	wrdreg $0xFFFFFFFF;
	(pc) =	sbr.abs _section_cstart, $3  }
0xc0: {  	[dreg:$0x1] =	wrdreg $0xFFFFFFFF  }
0xc1: {  	_ =	task.clear_ibuf [dreg:s7], $0x2FFFF;
	_ =	strace $0x9FFFFFFF  }
0xc2: {  	(tm) =	ssettm $0x7FFFFFFF  }
0xc3: {  	_ =	shalt  }
tec
execute0_lowered:
.L_overlay_start_1:
0x0: {  	(tag) =	ssettag $0x1  }
0x1: {  	s4 =	rddreg [dreg:$0x0];
	s1 =	srdreg.scid  }
0x2: {  	s0 =	stileid.u32;
	s5 =	rddreg [dreg:$0x1]  }
0x3: {  	s9 =	simm.s32 $0x80;
	s10 =	simm.s32 $0x400;
	s11 =	simm.s32 $0x0  }
0x4: {  	s3 =	sand.u32 $0x1, s1;
	s2 =	sshll.u32 s0, $0x1;
	s1 =	rddreg [dreg:$0x2]  }
0x5: {  	s7 =	sshrl.u32 s0, $0x2;
	s6 =	sor.u32 s3, s2;
	s2 =	simm.s32 $0x0  }
0x6: {  	s7 =	smul.u32 $0x13C00, s7;
	s30 =	ssub.s32 $0x2, s3;
	s8 =	sshll.u32 s6, $0x7  }
0x7: {  	s3 =	sadd.s32 $0x1C00, s5;
	s6 =	smul.u32 $0x500, s6;
	s8 =	sand.u32 $0x380, s8  }
0x8: {  	[smem:$0x7FF] =	sst s2;
	s31 =	sshrl.u32 s30, $0x1;
	s7 =	sor.u32 s7, s8  }
0x9: {  	_ =	strace $0x80000047;
	s4 =	sadd.s32 s4, s6;
	s7 =	sshrl.u32 s7, $0x3  }
0xa: {  	s8 =	simm.s32 $0x1;
	s5 =	sadd.s32 s7, s5;
	s7 =	ssub.s32 s30, s31  }
0xb: {  	v0 =	vimm.f32 $1.000000000e+00;
	s5 =	sadd.s32 $0x2200, s5;
	s6 =	smax.u32 s7, $0x1;
	s7 =	simm.s32 $0x2800  }
.LBB2_1:
0xc: {  	[tilespmem:s7], [sflag:$0x1] =	stream.linear.gather [hbm4b:s3+s2], $0x2780, $0x38;
	[tilespmem:$0x4F80] =	vst v63  }
0xd: {  	_ =	swait.ge [sflag:s8], $0x2780  }
0xe: {  	[sflag:s8] =	ssyncset.done $0x0  }
0xf: {  	[sflag:s8] =	ssyncadd.s32 $0xFFFFD880  }
0x10: {  	[tilespmem:s2], [sflag:$0x1] =	stream.linear.gather [hbm4b:s4+s2], $0x2800, $0x38;
	[tilespmem:$0x4F80] =	vst v63  }
0x11: {  	_ =	swait.ge [sflag:s8], $0x2800  }
0x12: {  	[sflag:s8] =	ssyncset.done $0x0  }
0x13: {  	s13 =	simm.s32 $0x0;
	s12 =	simm.s32 $0x40;
	[sflag:s8] =	ssyncadd.s32 $0xFFFFD800  }
.LBB2_2:
0x14: {  	p0 =	sne.s32 s12, $0x9FC0;
	v1 =	vld [tilespmem:s13+$0x0];
	_ =	sdelay $0x3  }
.Ltmp0:
0x15: {  	(pc) =	sbr.rel @p0 .LBB2_2-.Ltmp0, $2  }
0x16: {  	_ =	sdelay $0x2  }
0x17: {  	s13 =	sshra.s32 s12, $0x2;
	s12 =	sadd.s32 $0x40, s12;
	[tilespmem:v1+s7+$0x0] =	vst.idx.add.f32.msk $0xffff, v0  }
0x18: {  	v1 =	vld [tilespmem:s13+$0x0];
	_ =	sdelay $0x5  }
0x19: {  	s11 =	sadd.s32 $0x1, s11  }
0x1a: {  	p0 =	sne.s32 s11, s6  }
.Ltmp1:
0x1b: {  	[tilespmem:v1+s7+$0x0] =	vst.idx.add.f32.msk $0xffff, v0;
	(pc) =	sbr.rel @p0 .LBB2_1-.Ltmp1, $4  }
0x1c: {  	[hbm4b:s5+s9] =	stream.strided.scatter [tilespmem:s7], [sflag:$0x1], $0x2780, s10, s9, $0x38;
	[tilespmem:$0x4F80] =	vst v63  }
0x1d: {  	_ =	swait.ge [sflag:s8], $0x2780  }
0x1e: {  	[sflag:s8] =	ssyncset.done $0x0  }
0x1f: {  	[sflag:s8] =	ssyncadd.s32 $0xFFFFD880  }
0x20: {  	_ =	sfence.sel $0x180000  }
0x21: {  	[bflag:$0x0] =	sbarrier.arrive $0xFFFF  }
0x22: {  	p0 =	sne.s32 s0, $0x0;
	_ =	strace $0x90000047  }
0x23: {  	s0 =	sadd.s32 @!p0 $0x100000, s1;
	[bflag:$0x2] =	sbarrier.arrive $0xFFFF  }
0x24: {  	[sflag:s0] =	ssyncadd.tile.s32 @!p0 $0x1;
	_ =	shalt  }
.Lfunc_end2:
_tile_overlayer_lowered:
.L_overlay_start_2:
0x25: {  	(tag) =	ssettag $0x2  }
0x26: {  	s0 =	rddreg [dreg:$0x0];
	s2 =	stileid.u32  }
0x27: {  	s1 =	rddreg [dreg:$0x1];
	p0 =	sne.s32 s2, $0x0  }
0x28: {  	s3 =	rddreg [dreg:$0x2];
	[bflag:$0x3] =	sbarrier.arrive $0xFFFF;
	s2 =	simm.s32 @!p0 $0x1C01  }
0x29: {  	[timem:s3], [sflag:s2] =	dma.local @!p0 [hbm:s0], s1  }
0x2a: {  	s0 =	simm.s32 @!p0 $0x1  }
0x2b: {  	_ =	swait.ge @!p0 [sflag:s0], s1  }
0x2c: {  	s1 =	ssub.s32 @!p0 $0x0, s1;
	[sflag:s0] =	ssyncset.done @!p0 $0x0  }
0x2d: {  	[sflag:s0] =	ssyncadd.s32 @!p0 s1  }
0x2e: {  	[bflag:$0x3] =	sbarrier.arrive $0xFFFF  }
0x2f: {  	_ =	shalt  }

</sc_bundles>
